<compile_context>
chip_gen: v7x
topology: tpu7x:2x2x1
jax: 0.10.2.dev20260603
libtpu: 0.0.44.dev20260713+nightly
codegen_flags: <defaults>
</compile_context>

<pallas_src>
import functools

import jax
import jax.numpy as jnp
from jax import lax
from jax.experimental import pallas as pl
from jax.experimental.pallas import tpu as pltpu
from jax.experimental.pallas import tpu_sc as plsc

_CHUNK = 64


@functools.lru_cache(maxsize=None)
def _build(B, V, D):
    info = plsc.get_sparse_core_info()
    NC, NS = info.num_cores, info.num_subcores
    NW = NC * NS
    assert B % NW == 0
    b_per_w = B // NW
    n_chunks = -(-b_per_w // _CHUNK)
    assert b_per_w % _CHUNK == 0
    v_per_s = -(-V // (NS * 8)) * 8
    assert V % 8 == 0
    mesh = plsc.VectorSubcoreMesh(core_axis_name="c", subcore_axis_name="s")

    @functools.partial(
        pl.kernel,
        mesh=mesh,
        out_type=jax.ShapeDtypeStruct((B, D), jnp.float32),
        scratch_types=[
            pltpu.VMEM((n_chunks, _CHUNK), jnp.int32),
            pltpu.VMEM((b_per_w, D), jnp.float32),
            pltpu.VMEM_SHARED((V, D), jnp.float32),
            pltpu.SemaphoreType.DMA((n_chunks,)),
            pltpu.SemaphoreType.DMA,
            pltpu.SemaphoreType.DMA,
            pltpu.SemaphoreType.DMA,
        ],
    )
    def k(idx_hbm, table_hbm, out_hbm, idx_v, rows_v, table_sh, gsems, ssem,
          isem, tsem):
        cid = lax.axis_index("c")
        sid = lax.axis_index("s")
        wid = sid * NC + cid
        base = wid * b_per_w
        idx_cp = pltpu.async_copy(idx_hbm.at[wid], idx_v, isem)
        vstart = jnp.minimum(sid * v_per_s, V - v_per_s)
        stage_cp = pltpu.async_copy(
            table_hbm.at[pl.ds(vstart, v_per_s)],
            table_sh.at[pl.ds(vstart, v_per_s)],
            tsem,
        )
        idx_cp.wait()
        stage_cp.wait()
        plsc.subcore_barrier()
        gathers = [
            pltpu.async_copy(
                table_sh.at[idx_v.at[j]],
                rows_v.at[pl.ds(j * _CHUNK, _CHUNK)],
                gsems.at[j],
            )
            for j in range(n_chunks)
        ]
        stores = []
        for j in range(n_chunks):
            gathers[j].wait()
            stores.append(
                pltpu.async_copy(
                    rows_v.at[pl.ds(j * _CHUNK, _CHUNK)],
                    out_hbm.at[pl.ds(base + j * _CHUNK, _CHUNK)],
                    ssem,
                )
            )
        for c in stores:
            c.wait()

    def run(class_labels, table):
        idx = class_labels.astype(jnp.int32).reshape(NW, n_chunks, _CHUNK)
        return k(idx, table)

    return run


def kernel(class_labels, table):
    (B,) = class_labels.shape
    V, D = table.shape
    return _build(B, V, D)(class_labels, table)

# --- scband reference (transcript-rebuilt; emitter-appended) ---
"""Pipeline reference for scband-class-embedding-1743756722376 (READ-ONLY COPY).

The authoritative reference and input builder live on the scoring server;
editing this copy changes nothing except your own understanding.
"""

import jax, jax.numpy as jnp
import numpy as np

NUM_CLASSES = 1000
DIM = 128
BATCH = 16384

def setup_inputs(seed: int = 0) -> dict:
    key = jax.random.key(seed)
    k1, k2 = jax.random.split(key)
    class_labels = jax.random.randint(k1, (BATCH,), 0, NUM_CLASSES, dtype=jnp.int64)
    # nn.Embedding default init: N(0, 1)
    table = jax.random.normal(k2, (NUM_CLASSES, DIM), dtype=jnp.float32)
    return {"class_labels": class_labels, "table": table}

def reference(class_labels, table):
    # Embedding lookup: (B,) int -> (B, dim)
    return jnp.take(table, class_labels, axis=0)

if __name__ == "__main__":
    import jax
    _d = setup_inputs()
    print(jax.jit(kernel)(*tuple(_d.values())))

</pallas_src>

<mosaic_0001>
#map = affine_map<(d0, d1) -> (0, 0, 0)>
#map1 = affine_map<(d0, d1) -> (0, 0)>
module attributes {stable_mosaic.version = 14 : i64} {
  func.func @k(%arg0: i32, %arg1: i32, %arg2: memref<32x8x64xi32, #tpu.memory_space<hbm>>, %arg3: memref<1000x128xf32, #tpu.memory_space<hbm>>, %arg4: memref<16384x128xf32, #tpu.memory_space<hbm>>, %arg5: memref<8x64xi32, #tpu.memory_space<vmem>>, %arg6: memref<512x128xf32, #tpu.memory_space<vmem>>, %arg7: memref<1000x128xf32, #tpu.memory_space<vmem_shared>>, %arg8: memref<8x!tpu.dma_semaphore, #tpu.memory_space<semaphore_mem>>, %arg9: memref<!tpu.dma_semaphore, #tpu.memory_space<semaphore_mem>>, %arg10: memref<!tpu.dma_semaphore, #tpu.memory_space<semaphore_mem>>, %arg11: memref<!tpu.dma_semaphore, #tpu.memory_space<semaphore_mem>>) attributes {dimension_semantics = [#tpu.dimension_semantics<core_parallel>, #tpu.dimension_semantics<subcore_parallel>], iteration_bounds = array<i64: 2, 16>, scalar_prefetch = 0 : i64, scratch_operands = 7 : i64, tpu.core_type = #tpu.core_type<sc_vector_subcore>, window_params = [{transform_indices = #map}, {transform_indices = #map1}, {transform_indices = #map1}]} {
    %mul3A = arith.constant 2 : i32
    %mul3A_0 = arith.muli %arg1, %mul3A : i32
    %add3A = arith.addi %mul3A_0, %arg0 : i32
    %mul3A_1 = arith.constant 512 : i32
    %mul3A_2 = arith.muli %add3A, %mul3A_1 : i32
    %dma_start3A = arith.constant 0 : i32
    %dma_start3A_3 = arith.constant 0 : i32
    %dma_start3A_4 = tpu.memref_slice %arg2[%add3A, %dma_start3A, %dma_start3A_3] : memref<32x8x64xi32, #tpu.memory_space<hbm>> -> memref<1x8x64xi32, #tpu.memory_space<hbm>>
    %dma_start3A_5 = tpu.memref_squeeze %dma_start3A_4 : memref<1x8x64xi32, #tpu.memory_space<hbm>> -> memref<8x64xi32, #tpu.memory_space<hbm>>
    %dma_start3A_6 = arith.constant 0 : i32
    %dma_start3A_7 = arith.constant 0 : i32
    %dma_start3A_8 = tpu.memref_slice %arg2[%add3A, %dma_start3A_6, %dma_start3A_7] : memref<32x8x64xi32, #tpu.memory_space<hbm>> -> memref<1x8x64xi32, #tpu.memory_space<hbm>>
    %dma_start3A_9 = tpu.memref_squeeze %dma_start3A_8 : memref<1x8x64xi32, #tpu.memory_space<hbm>> -> memref<8x64xi32, #tpu.memory_space<hbm>>
    tpu.enqueue_dma source(%dma_start3A_9 : memref<8x64xi32, #tpu.memory_space<hbm>>) target(%arg5 : memref<8x64xi32, #tpu.memory_space<vmem>>) target_semaphore(%arg10 : memref<!tpu.dma_semaphore, #tpu.memory_space<semaphore_mem>>)
    %mul3A_10 = arith.constant 64 : i32
    %mul3A_11 = arith.muli %arg1, %mul3A_10 : i32
    %min3A = arith.constant 936 : i32
    %min3A_12 = arith.minsi %mul3A_11, %min3A : i32
    %dma_start3A_13 = arith.constant 0 : i32
    %dma_start3A_14 = tpu.memref_slice %arg7[%min3A_12, %dma_start3A_13] : memref<1000x128xf32, #tpu.memory_space<vmem_shared>> -> memref<64x128xf32, #tpu.memory_space<vmem_shared>>
    %dma_start3A_15 = arith.constant 0 : i32
    %dma_start3A_16 = tpu.memref_slice %arg3[%min3A_12, %dma_start3A_15] : memref<1000x128xf32, #tpu.memory_space<hbm>> -> memref<64x128xf32, #tpu.memory_space<hbm>>
    tpu.enqueue_dma source(%dma_start3A_16 : memref<64x128xf32, #tpu.memory_space<hbm>>) target(%dma_start3A_14 : memref<64x128xf32, #tpu.memory_space<vmem_shared>>) target_semaphore(%arg11 : memref<!tpu.dma_semaphore, #tpu.memory_space<semaphore_mem>>)
    %dma_wait3A = arith.constant 0 : i32
    %dma_wait3A_17 = arith.constant 0 : i32
    %dma_wait3A_18 = tpu.memref_slice %arg2[%add3A, %dma_wait3A, %dma_wait3A_17] : memref<32x8x64xi32, #tpu.memory_space<hbm>> -> memref<1x8x64xi32, #tpu.memory_space<hbm>>
    %dma_wait3A_19 = tpu.memref_squeeze %dma_wait3A_18 : memref<1x8x64xi32, #tpu.memory_space<hbm>> -> memref<8x64xi32, #tpu.memory_space<hbm>>
    %dma_wait3A_20 = arith.constant 0 : i32
    %dma_wait3A_21 = arith.constant 0 : i32
    %dma_wait3A_22 = tpu.memref_slice %arg2[%add3A, %dma_wait3A_20, %dma_wait3A_21] : memref<32x8x64xi32, #tpu.memory_space<hbm>> -> memref<1x8x64xi32, #tpu.memory_space<hbm>>
    %dma_wait3A_23 = tpu.memref_squeeze %dma_wait3A_22 : memref<1x8x64xi32, #tpu.memory_space<hbm>> -> memref<8x64xi32, #tpu.memory_space<hbm>>
    tpu.wait_dma2 semaphore(%arg10 : memref<!tpu.dma_semaphore, #tpu.memory_space<semaphore_mem>>) src(%dma_wait3A_23 : memref<8x64xi32, #tpu.memory_space<hbm>>) dst(%arg5 : memref<8x64xi32, #tpu.memory_space<vmem>>)
    %dma_wait3A_24 = arith.constant 0 : i32
    %dma_wait3A_25 = tpu.memref_slice %arg7[%min3A_12, %dma_wait3A_24] : memref<1000x128xf32, #tpu.memory_space<vmem_shared>> -> memref<64x128xf32, #tpu.memory_space<vmem_shared>>
    %dma_wait3A_26 = arith.constant 0 : i32
    %dma_wait3A_27 = tpu.memref_slice %arg3[%min3A_12, %dma_wait3A_26] : memref<1000x128xf32, #tpu.memory_space<hbm>> -> memref<64x128xf32, #tpu.memory_space<hbm>>
    tpu.wait_dma2 semaphore(%arg11 : memref<!tpu.dma_semaphore, #tpu.memory_space<semaphore_mem>>) src(%dma_wait3A_27 : memref<64x128xf32, #tpu.memory_space<hbm>>) dst(%dma_wait3A_25 : memref<64x128xf32, #tpu.memory_space<vmem_shared>>)
    %barrier3A = arith.constant 0 : index
    tpu.barrier barrier_id(%barrier3A)
    %dma_start3A_28 = arith.constant 0 : i32
    %dma_start3A_29 = arith.constant 0 : i32
    %dma_start3A_30 = arith.constant 0 : i32
    %dma_start3A_31 = arith.constant 0 : i32
    %dma_start3A_32 = tpu.memref_slice %arg6[%dma_start3A_30, %dma_start3A_31] : memref<512x128xf32, #tpu.memory_space<vmem>> -> memref<64x128xf32, #tpu.memory_space<vmem>>
    %dma_start3A_33 = arith.constant 0 : i32
    %dma_start3A_34 = tpu.memref_slice %arg5[%dma_start3A_28, %dma_start3A_33] : memref<8x64xi32, #tpu.memory_space<vmem>> -> memref<1x64xi32, #tpu.memory_space<vmem>>
    %dma_start3A_35 = tpu.memref_squeeze %dma_start3A_34 : memref<1x64xi32, #tpu.memory_space<vmem>> -> memref<64xi32, #tpu.memory_space<vmem>>
    %dma_start3A_36 = arith.constant 0 : i32
    %dma_start3A_37 = arith.constant 0 : i32
    %dma_start3A_38 = tpu.memref_slice %arg7[%dma_start3A_36, %dma_start3A_37] : memref<1000x128xf32, #tpu.memory_space<vmem_shared>> -> memref<1000x128xf32, #tpu.memory_space<vmem_shared>>
    %dma_start3A_39 = tpu.memref_slice %arg8[%dma_start3A_29] : memref<8x!tpu.dma_semaphore, #tpu.memory_space<semaphore_mem>> -> memref<1x!tpu.dma_semaphore, #tpu.memory_space<semaphore_mem>>
    %dma_start3A_40 = tpu.memref_squeeze %dma_start3A_39 : memref<1x!tpu.dma_semaphore, #tpu.memory_space<semaphore_mem>> -> memref<!tpu.dma_semaphore, #tpu.memory_space<semaphore_mem>>
    tpu.enqueue_indirect_dma source(%dma_start3A_38 : memref<1000x128xf32, #tpu.memory_space<vmem_shared>>) target(%dma_start3A_32 : memref<64x128xf32, #tpu.memory_space<vmem>>) offsets(%dma_start3A_35 : memref<64xi32, #tpu.memory_space<vmem>>) semaphore(%dma_start3A_40 : memref<!tpu.dma_semaphore, #tpu.memory_space<semaphore_mem>>)
    %dma_start3A_41 = arith.constant 1 : i32
    %dma_start3A_42 = arith.constant 1 : i32
    %dma_start3A_43 = arith.constant 64 : i32
    %dma_start3A_44 = arith.constant 0 : i32
    %dma_start3A_45 = tpu.memref_slice %arg6[%dma_start3A_43, %dma_start3A_44] : memref<512x128xf32, #tpu.memory_space<vmem>> -> memref<64x128xf32, #tpu.memory_space<vmem>>
    %dma_start3A_46 = arith.constant 0 : i32
    %dma_start3A_47 = tpu.memref_slice %arg5[%dma_start3A_41, %dma_start3A_46] : memref<8x64xi32, #tpu.memory_space<vmem>> -> memref<1x64xi32, #tpu.memory_space<vmem>>
    %dma_start3A_48 = tpu.memref_squeeze %dma_start3A_47 : memref<1x64xi32, #tpu.memory_space<vmem>> -> memref<64xi32, #tpu.memory_space<vmem>>
    %dma_start3A_49 = arith.constant 0 : i32
    %dma_start3A_50 = arith.constant 0 : i32
    %dma_start3A_51 = tpu.memref_slice %arg7[%dma_start3A_49, %dma_start3A_50] : memref<1000x128xf32, #tpu.memory_space<vmem_shared>> -> memref<1000x128xf32, #tpu.memory_space<vmem_shared>>
    %dma_start3A_52 = tpu.memref_slice %arg8[%dma_start3A_42] : memref<8x!tpu.dma_semaphore, #tpu.memory_space<semaphore_mem>> -> memref<1x!tpu.dma_semaphore, #tpu.memory_space<semaphore_mem>>
    %dma_start3A_53 = tpu.memref_squeeze %dma_start3A_52 : memref<1x!tpu.dma_semaphore, #tpu.memory_space<semaphore_mem>> -> memref<!tpu.dma_semaphore, #tpu.memory_space<semaphore_mem>>
    tpu.enqueue_indirect_dma source(%dma_start3A_51 : memref<1000x128xf32, #tpu.memory_space<vmem_shared>>) target(%dma_start3A_45 : memref<64x128xf32, #tpu.memory_space<vmem>>) offsets(%dma_start3A_48 : memref<64xi32, #tpu.memory_space<vmem>>) semaphore(%dma_start3A_53 : memref<!tpu.dma_semaphore, #tpu.memory_space<semaphore_mem>>)
    %dma_start3A_54 = arith.constant 2 : i32
    %dma_start3A_55 = arith.constant 2 : i32
    %dma_start3A_56 = arith.constant 128 : i32
    %dma_start3A_57 = arith.constant 0 : i32
    %dma_start3A_58 = tpu.memref_slice %arg6[%dma_start3A_56, %dma_start3A_57] : memref<512x128xf32, #tpu.memory_space<vmem>> -> memref<64x128xf32, #tpu.memory_space<vmem>>
    %dma_start3A_59 = arith.constant 0 : i32
    %dma_start3A_60 = tpu.memref_slice %arg5[%dma_start3A_54, %dma_start3A_59] : memref<8x64xi32, #tpu.memory_space<vmem>> -> memref<1x64xi32, #tpu.memory_space<vmem>>
    %dma_start3A_61 = tpu.memref_squeeze %dma_start3A_60 : memref<1x64xi32, #tpu.memory_space<vmem>> -> memref<64xi32, #tpu.memory_space<vmem>>
    %dma_start3A_62 = arith.constant 0 : i32
    %dma_start3A_63 = arith.constant 0 : i32
    %dma_start3A_64 = tpu.memref_slice %arg7[%dma_start3A_62, %dma_start3A_63] : memref<1000x128xf32, #tpu.memory_space<vmem_shared>> -> memref<1000x128xf32, #tpu.memory_space<vmem_shared>>
    %dma_start3A_65 = tpu.memref_slice %arg8[%dma_start3A_55] : memref<8x!tpu.dma_semaphore, #tpu.memory_space<semaphore_mem>> -> memref<1x!tpu.dma_semaphore, #tpu.memory_space<semaphore_mem>>
    %dma_start3A_66 = tpu.memref_squeeze %dma_start3A_65 : memref<1x!tpu.dma_semaphore, #tpu.memory_space<semaphore_mem>> -> memref<!tpu.dma_semaphore, #tpu.memory_space<semaphore_mem>>
    tpu.enqueue_indirect_dma source(%dma_start3A_64 : memref<1000x128xf32, #tpu.memory_space<vmem_shared>>) target(%dma_start3A_58 : memref<64x128xf32, #tpu.memory_space<vmem>>) offsets(%dma_start3A_61 : memref<64xi32, #tpu.memory_space<vmem>>) semaphore(%dma_start3A_66 : memref<!tpu.dma_semaphore, #tpu.memory_space<semaphore_mem>>)
    %dma_start3A_67 = arith.constant 3 : i32
    %dma_start3A_68 = arith.constant 3 : i32
    %dma_start3A_69 = arith.constant 192 : i32
    %dma_start3A_70 = arith.constant 0 : i32
    %dma_start3A_71 = tpu.memref_slice %arg6[%dma_start3A_69, %dma_start3A_70] : memref<512x128xf32, #tpu.memory_space<vmem>> -> memref<64x128xf32, #tpu.memory_space<vmem>>
    %dma_start3A_72 = arith.constant 0 : i32
    %dma_start3A_73 = tpu.memref_slice %arg5[%dma_start3A_67, %dma_start3A_72] : memref<8x64xi32, #tpu.memory_space<vmem>> -> memref<1x64xi32, #tpu.memory_space<vmem>>
    %dma_start3A_74 = tpu.memref_squeeze %dma_start3A_73 : memref<1x64xi32, #tpu.memory_space<vmem>> -> memref<64xi32, #tpu.memory_space<vmem>>
    %dma_start3A_75 = arith.constant 0 : i32
    %dma_start3A_76 = arith.constant 0 : i32
    %dma_start3A_77 = tpu.memref_slice %arg7[%dma_start3A_75, %dma_start3A_76] : memref<1000x128xf32, #tpu.memory_space<vmem_shared>> -> memref<1000x128xf32, #tpu.memory_space<vmem_shared>>
    %dma_start3A_78 = tpu.memref_slice %arg8[%dma_start3A_68] : memref<8x!tpu.dma_semaphore, #tpu.memory_space<semaphore_mem>> -> memref<1x!tpu.dma_semaphore, #tpu.memory_space<semaphore_mem>>
    %dma_start3A_79 = tpu.memref_squeeze %dma_start3A_78 : memref<1x!tpu.dma_semaphore, #tpu.memory_space<semaphore_mem>> -> memref<!tpu.dma_semaphore, #tpu.memory_space<semaphore_mem>>
    tpu.enqueue_indirect_dma source(%dma_start3A_77 : memref<1000x128xf32, #tpu.memory_space<vmem_shared>>) target(%dma_start3A_71 : memref<64x128xf32, #tpu.memory_space<vmem>>) offsets(%dma_start3A_74 : memref<64xi32, #tpu.memory_space<vmem>>) semaphore(%dma_start3A_79 : memref<!tpu.dma_semaphore, #tpu.memory_space<semaphore_mem>>)
    %dma_start3A_80 = arith.constant 4 : i32
    %dma_start3A_81 = arith.constant 4 : i32
    %dma_start3A_82 = arith.constant 256 : i32
    %dma_start3A_83 = arith.constant 0 : i32
    %dma_start3A_84 = tpu.memref_slice %arg6[%dma_start3A_82, %dma_start3A_83] : memref<512x128xf32, #tpu.memory_space<vmem>> -> memref<64x128xf32, #tpu.memory_space<vmem>>
    %dma_start3A_85 = arith.constant 0 : i32
    %dma_start3A_86 = tpu.memref_slice %arg5[%dma_start3A_80, %dma_start3A_85] : memref<8x64xi32, #tpu.memory_space<vmem>> -> memref<1x64xi32, #tpu.memory_space<vmem>>
    %dma_start3A_87 = tpu.memref_squeeze %dma_start3A_86 : memref<1x64xi32, #tpu.memory_space<vmem>> -> memref<64xi32, #tpu.memory_space<vmem>>
    %dma_start3A_88 = arith.constant 0 : i32
    %dma_start3A_89 = arith.constant 0 : i32
    %dma_start3A_90 = tpu.memref_slice %arg7[%dma_start3A_88, %dma_start3A_89] : memref<1000x128xf32, #tpu.memory_space<vmem_shared>> -> memref<1000x128xf32, #tpu.memory_space<vmem_shared>>
    %dma_start3A_91 = tpu.memref_slice %arg8[%dma_start3A_81] : memref<8x!tpu.dma_semaphore, #tpu.memory_space<semaphore_mem>> -> memref<1x!tpu.dma_semaphore, #tpu.memory_space<semaphore_mem>>
    %dma_start3A_92 = tpu.memref_squeeze %dma_start3A_91 : memref<1x!tpu.dma_semaphore, #tpu.memory_space<semaphore_mem>> -> memref<!tpu.dma_semaphore, #tpu.memory_space<semaphore_mem>>
    tpu.enqueue_indirect_dma source(%dma_start3A_90 : memref<1000x128xf32, #tpu.memory_space<vmem_shared>>) target(%dma_start3A_84 : memref<64x128xf32, #tpu.memory_space<vmem>>) offsets(%dma_start3A_87 : memref<64xi32, #tpu.memory_space<vmem>>) semaphore(%dma_start3A_92 : memref<!tpu.dma_semaphore, #tpu.memory_space<semaphore_mem>>)
    %dma_start3A_93 = arith.constant 5 : i32
    %dma_start3A_94 = arith.constant 5 : i32
    %dma_start3A_95 = arith.constant 320 : i32
    %dma_start3A_96 = arith.constant 0 : i32
    %dma_start3A_97 = tpu.memref_slice %arg6[%dma_start3A_95, %dma_start3A_96] : memref<512x128xf32, #tpu.memory_space<vmem>> -> memref<64x128xf32, #tpu.memory_space<vmem>>
    %dma_start3A_98 = arith.constant 0 : i32
    %dma_start3A_99 = tpu.memref_slice %arg5[%dma_start3A_93, %dma_start3A_98] : memref<8x64xi32, #tpu.memory_space<vmem>> -> memref<1x64xi32, #tpu.memory_space<vmem>>
    %dma_start3A_100 = tpu.memref_squeeze %dma_start3A_99 : memref<1x64xi32, #tpu.memory_space<vmem>> -> memref<64xi32, #tpu.memory_space<vmem>>
    %dma_start3A_101 = arith.constant 0 : i32
    %dma_start3A_102 = arith.constant 0 : i32
    %dma_start3A_103 = tpu.memref_slice %arg7[%dma_start3A_101, %dma_start3A_102] : memref<1000x128xf32, #tpu.memory_space<vmem_shared>> -> memref<1000x128xf32, #tpu.memory_space<vmem_shared>>
    %dma_start3A_104 = tpu.memref_slice %arg8[%dma_start3A_94] : memref<8x!tpu.dma_semaphore, #tpu.memory_space<semaphore_mem>> -> memref<1x!tpu.dma_semaphore, #tpu.memory_space<semaphore_mem>>
    %dma_start3A_105 = tpu.memref_squeeze %dma_start3A_104 : memref<1x!tpu.dma_semaphore, #tpu.memory_space<semaphore_mem>> -> memref<!tpu.dma_semaphore, #tpu.memory_space<semaphore_mem>>
    tpu.enqueue_indirect_dma source(%dma_start3A_103 : memref<1000x128xf32, #tpu.memory_space<vmem_shared>>) target(%dma_start3A_97 : memref<64x128xf32, #tpu.memory_space<vmem>>) offsets(%dma_start3A_100 : memref<64xi32, #tpu.memory_space<vmem>>) semaphore(%dma_start3A_105 : memref<!tpu.dma_semaphore, #tpu.memory_space<semaphore_mem>>)
    %dma_start3A_106 = arith.constant 6 : i32
    %dma_start3A_107 = arith.constant 6 : i32
    %dma_start3A_108 = arith.constant 384 : i32
    %dma_start3A_109 = arith.constant 0 : i32
    %dma_start3A_110 = tpu.memref_slice %arg6[%dma_start3A_108, %dma_start3A_109] : memref<512x128xf32, #tpu.memory_space<vmem>> -> memref<64x128xf32, #tpu.memory_space<vmem>>
    %dma_start3A_111 = arith.constant 0 : i32
    %dma_start3A_112 = tpu.memref_slice %arg5[%dma_start3A_106, %dma_start3A_111] : memref<8x64xi32, #tpu.memory_space<vmem>> -> memref<1x64xi32, #tpu.memory_space<vmem>>
    %dma_start3A_113 = tpu.memref_squeeze %dma_start3A_112 : memref<1x64xi32, #tpu.memory_space<vmem>> -> memref<64xi32, #tpu.memory_space<vmem>>
    %dma_start3A_114 = arith.constant 0 : i32
    %dma_start3A_115 = arith.constant 0 : i32
    %dma_start3A_116 = tpu.memref_slice %arg7[%dma_start3A_114, %dma_start3A_115] : memref<1000x128xf32, #tpu.memory_space<vmem_shared>> -> memref<1000x128xf32, #tpu.memory_space<vmem_shared>>
    %dma_start3A_117 = tpu.memref_slice %arg8[%dma_start3A_107] : memref<8x!tpu.dma_semaphore, #tpu.memory_space<semaphore_mem>> -> memref<1x!tpu.dma_semaphore, #tpu.memory_space<semaphore_mem>>
    %dma_start3A_118 = tpu.memref_squeeze %dma_start3A_117 : memref<1x!tpu.dma_semaphore, #tpu.memory_space<semaphore_mem>> -> memref<!tpu.dma_semaphore, #tpu.memory_space<semaphore_mem>>
    tpu.enqueue_indirect_dma source(%dma_start3A_116 : memref<1000x128xf32, #tpu.memory_space<vmem_shared>>) target(%dma_start3A_110 : memref<64x128xf32, #tpu.memory_space<vmem>>) offsets(%dma_start3A_113 : memref<64xi32, #tpu.memory_space<vmem>>) semaphore(%dma_start3A_118 : memref<!tpu.dma_semaphore, #tpu.memory_space<semaphore_mem>>)
    %dma_start3A_119 = arith.constant 7 : i32
    %dma_start3A_120 = arith.constant 7 : i32
    %dma_start3A_121 = arith.constant 448 : i32
    %dma_start3A_122 = arith.constant 0 : i32
    %dma_start3A_123 = tpu.memref_slice %arg6[%dma_start3A_121, %dma_start3A_122] : memref<512x128xf32, #tpu.memory_space<vmem>> -> memref<64x128xf32, #tpu.memory_space<vmem>>
    %dma_start3A_124 = arith.constant 0 : i32
    %dma_start3A_125 = tpu.memref_slice %arg5[%dma_start3A_119, %dma_start3A_124] : memref<8x64xi32, #tpu.memory_space<vmem>> -> memref<1x64xi32, #tpu.memory_space<vmem>>
    %dma_start3A_126 = tpu.memref_squeeze %dma_start3A_125 : memref<1x64xi32, #tpu.memory_space<vmem>> -> memref<64xi32, #tpu.memory_space<vmem>>
    %dma_start3A_127 = arith.constant 0 : i32
    %dma_start3A_128 = arith.constant 0 : i32
    %dma_start3A_129 = tpu.memref_slice %arg7[%dma_start3A_127, %dma_start3A_128] : memref<1000x128xf32, #tpu.memory_space<vmem_shared>> -> memref<1000x128xf32, #tpu.memory_space<vmem_shared>>
    %dma_start3A_130 = tpu.memref_slice %arg8[%dma_start3A_120] : memref<8x!tpu.dma_semaphore, #tpu.memory_space<semaphore_mem>> -> memref<1x!tpu.dma_semaphore, #tpu.memory_space<semaphore_mem>>
    %dma_start3A_131 = tpu.memref_squeeze %dma_start3A_130 : memref<1x!tpu.dma_semaphore, #tpu.memory_space<semaphore_mem>> -> memref<!tpu.dma_semaphore, #tpu.memory_space<semaphore_mem>>
    tpu.enqueue_indirect_dma source(%dma_start3A_129 : memref<1000x128xf32, #tpu.memory_space<vmem_shared>>) target(%dma_start3A_123 : memref<64x128xf32, #tpu.memory_space<vmem>>) offsets(%dma_start3A_126 : memref<64xi32, #tpu.memory_space<vmem>>) semaphore(%dma_start3A_131 : memref<!tpu.dma_semaphore, #tpu.memory_space<semaphore_mem>>)
    %dma_wait3A_132 = arith.constant 0 : i32
    %dma_wait3A_133 = arith.constant 0 : i32
    %dma_wait3A_134 = arith.constant 0 : i32
    %dma_wait3A_135 = arith.constant 0 : i32
    %dma_wait3A_136 = tpu.memref_slice %arg6[%dma_wait3A_134, %dma_wait3A_135] : memref<512x128xf32, #tpu.memory_space<vmem>> -> memref<64x128xf32, #tpu.memory_space<vmem>>
    %dma_wait3A_137 = arith.constant 0 : i32
    %dma_wait3A_138 = tpu.memref_slice %arg5[%dma_wait3A_132, %dma_wait3A_137] : memref<8x64xi32, #tpu.memory_space<vmem>> -> memref<1x64xi32, #tpu.memory_space<vmem>>
    %dma_wait3A_139 = tpu.memref_squeeze %dma_wait3A_138 : memref<1x64xi32, #tpu.memory_space<vmem>> -> memref<64xi32, #tpu.memory_space<vmem>>
    %dma_wait3A_140 = arith.constant 0 : i32
    %dma_wait3A_141 = arith.constant 0 : i32
    %dma_wait3A_142 = tpu.memref_slice %arg7[%dma_wait3A_140, %dma_wait3A_141] : memref<1000x128xf32, #tpu.memory_space<vmem_shared>> -> memref<1000x128xf32, #tpu.memory_space<vmem_shared>>
    %dma_wait3A_143 = tpu.memref_slice %arg8[%dma_wait3A_133] : memref<8x!tpu.dma_semaphore, #tpu.memory_space<semaphore_mem>> -> memref<1x!tpu.dma_semaphore, #tpu.memory_space<semaphore_mem>>
    %dma_wait3A_144 = tpu.memref_squeeze %dma_wait3A_143 : memref<1x!tpu.dma_semaphore, #tpu.memory_space<semaphore_mem>> -> memref<!tpu.dma_semaphore, #tpu.memory_space<semaphore_mem>>
    tpu.wait_indirect_dma semaphore(%dma_wait3A_144 : memref<!tpu.dma_semaphore, #tpu.memory_space<semaphore_mem>>) src(%dma_wait3A_142 : memref<1000x128xf32, #tpu.memory_space<vmem_shared>>) dst(%dma_wait3A_136 : memref<64x128xf32, #tpu.memory_space<vmem>>)
    %add3A_145 = arith.constant 0 : i32
    %add3A_146 = arith.addi %mul3A_2, %add3A_145 : i32
    %dma_start3A_147 = arith.constant 0 : i32
    %dma_start3A_148 = arith.constant 0 : i32
    %dma_start3A_149 = tpu.memref_slice %arg6[%dma_start3A_147, %dma_start3A_148] : memref<512x128xf32, #tpu.memory_space<vmem>> -> memref<64x128xf32, #tpu.memory_space<vmem>>
    %dma_start3A_150 = arith.constant 0 : i32
    %dma_start3A_151 = tpu.memref_slice %arg4[%add3A_146, %dma_start3A_150] : memref<16384x128xf32, #tpu.memory_space<hbm>> -> memref<64x128xf32, #tpu.memory_space<hbm>>
    %dma_start3A_152 = arith.constant 0 : i32
    %dma_start3A_153 = tpu.memref_slice %arg4[%add3A_146, %dma_start3A_152] : memref<16384x128xf32, #tpu.memory_space<hbm>> -> memref<64x128xf32, #tpu.memory_space<hbm>>
    %dma_start3A_154 = arith.constant 0 : i32
    %dma_start3A_155 = arith.constant 0 : i32
    %dma_start3A_156 = tpu.memref_slice %arg6[%dma_start3A_154, %dma_start3A_155] : memref<512x128xf32, #tpu.memory_space<vmem>> -> memref<64x128xf32, #tpu.memory_space<vmem>>
    tpu.enqueue_dma source(%dma_start3A_156 : memref<64x128xf32, #tpu.memory_space<vmem>>) target(%dma_start3A_153 : memref<64x128xf32, #tpu.memory_space<hbm>>) target_semaphore(%arg9 : memref<!tpu.dma_semaphore, #tpu.memory_space<semaphore_mem>>)
    %dma_wait3A_157 = arith.constant 1 : i32
    %dma_wait3A_158 = arith.constant 1 : i32
    %dma_wait3A_159 = arith.constant 64 : i32
    %dma_wait3A_160 = arith.constant 0 : i32
    %dma_wait3A_161 = tpu.memref_slice %arg6[%dma_wait3A_159, %dma_wait3A_160] : memref<512x128xf32, #tpu.memory_space<vmem>> -> memref<64x128xf32, #tpu.memory_space<vmem>>
    %dma_wait3A_162 = arith.constant 0 : i32
    %dma_wait3A_163 = tpu.memref_slice %arg5[%dma_wait3A_157, %dma_wait3A_162] : memref<8x64xi32, #tpu.memory_space<vmem>> -> memref<1x64xi32, #tpu.memory_space<vmem>>
    %dma_wait3A_164 = tpu.memref_squeeze %dma_wait3A_163 : memref<1x64xi32, #tpu.memory_space<vmem>> -> memref<64xi32, #tpu.memory_space<vmem>>
    %dma_wait3A_165 = arith.constant 0 : i32
    %dma_wait3A_166 = arith.constant 0 : i32
    %dma_wait3A_167 = tpu.memref_slice %arg7[%dma_wait3A_165, %dma_wait3A_166] : memref<1000x128xf32, #tpu.memory_space<vmem_shared>> -> memref<1000x128xf32, #tpu.memory_space<vmem_shared>>
    %dma_wait3A_168 = tpu.memref_slice %arg8[%dma_wait3A_158] : memref<8x!tpu.dma_semaphore, #tpu.memory_space<semaphore_mem>> -> memref<1x!tpu.dma_semaphore, #tpu.memory_space<semaphore_mem>>
    %dma_wait3A_169 = tpu.memref_squeeze %dma_wait3A_168 : memref<1x!tpu.dma_semaphore, #tpu.memory_space<semaphore_mem>> -> memref<!tpu.dma_semaphore, #tpu.memory_space<semaphore_mem>>
    tpu.wait_indirect_dma semaphore(%dma_wait3A_169 : memref<!tpu.dma_semaphore, #tpu.memory_space<semaphore_mem>>) src(%dma_wait3A_167 : memref<1000x128xf32, #tpu.memory_space<vmem_shared>>) dst(%dma_wait3A_161 : memref<64x128xf32, #tpu.memory_space<vmem>>)
    %add3A_170 = arith.constant 64 : i32
    %add3A_171 = arith.addi %mul3A_2, %add3A_170 : i32
    %dma_start3A_172 = arith.constant 64 : i32
    %dma_start3A_173 = arith.constant 0 : i32
    %dma_start3A_174 = tpu.memref_slice %arg6[%dma_start3A_172, %dma_start3A_173] : memref<512x128xf32, #tpu.memory_space<vmem>> -> memref<64x128xf32, #tpu.memory_space<vmem>>
    %dma_start3A_175 = arith.constant 0 : i32
    %dma_start3A_176 = tpu.memref_slice %arg4[%add3A_171, %dma_start3A_175] : memref<16384x128xf32, #tpu.memory_space<hbm>> -> memref<64x128xf32, #tpu.memory_space<hbm>>
    %dma_start3A_177 = arith.constant 0 : i32
    %dma_start3A_178 = tpu.memref_slice %arg4[%add3A_171, %dma_start3A_177] : memref<16384x128xf32, #tpu.memory_space<hbm>> -> memref<64x128xf32, #tpu.memory_space<hbm>>
    %dma_start3A_179 = arith.constant 64 : i32
    %dma_start3A_180 = arith.constant 0 : i32
    %dma_start3A_181 = tpu.memref_slice %arg6[%dma_start3A_179, %dma_start3A_180] : memref<512x128xf32, #tpu.memory_space<vmem>> -> memref<64x128xf32, #tpu.memory_space<vmem>>
    tpu.enqueue_dma source(%dma_start3A_181 : memref<64x128xf32, #tpu.memory_space<vmem>>) target(%dma_start3A_178 : memref<64x128xf32, #tpu.memory_space<hbm>>) target_semaphore(%arg9 : memref<!tpu.dma_semaphore, #tpu.memory_space<semaphore_mem>>)
    %dma_wait3A_182 = arith.constant 2 : i32
    %dma_wait3A_183 = arith.constant 2 : i32
    %dma_wait3A_184 = arith.constant 128 : i32
    %dma_wait3A_185 = arith.constant 0 : i32
    %dma_wait3A_186 = tpu.memref_slice %arg6[%dma_wait3A_184, %dma_wait3A_185] : memref<512x128xf32, #tpu.memory_space<vmem>> -> memref<64x128xf32, #tpu.memory_space<vmem>>
    %dma_wait3A_187 = arith.constant 0 : i32
    %dma_wait3A_188 = tpu.memref_slice %arg5[%dma_wait3A_182, %dma_wait3A_187] : memref<8x64xi32, #tpu.memory_space<vmem>> -> memref<1x64xi32, #tpu.memory_space<vmem>>
    %dma_wait3A_189 = tpu.memref_squeeze %dma_wait3A_188 : memref<1x64xi32, #tpu.memory_space<vmem>> -> memref<64xi32, #tpu.memory_space<vmem>>
    %dma_wait3A_190 = arith.constant 0 : i32
    %dma_wait3A_191 = arith.constant 0 : i32
    %dma_wait3A_192 = tpu.memref_slice %arg7[%dma_wait3A_190, %dma_wait3A_191] : memref<1000x128xf32, #tpu.memory_space<vmem_shared>> -> memref<1000x128xf32, #tpu.memory_space<vmem_shared>>
    %dma_wait3A_193 = tpu.memref_slice %arg8[%dma_wait3A_183] : memref<8x!tpu.dma_semaphore, #tpu.memory_space<semaphore_mem>> -> memref<1x!tpu.dma_semaphore, #tpu.memory_space<semaphore_mem>>
    %dma_wait3A_194 = tpu.memref_squeeze %dma_wait3A_193 : memref<1x!tpu.dma_semaphore, #tpu.memory_space<semaphore_mem>> -> memref<!tpu.dma_semaphore, #tpu.memory_space<semaphore_mem>>
    tpu.wait_indirect_dma semaphore(%dma_wait3A_194 : memref<!tpu.dma_semaphore, #tpu.memory_space<semaphore_mem>>) src(%dma_wait3A_192 : memref<1000x128xf32, #tpu.memory_space<vmem_shared>>) dst(%dma_wait3A_186 : memref<64x128xf32, #tpu.memory_space<vmem>>)
    %add3A_195 = arith.constant 128 : i32
    %add3A_196 = arith.addi %mul3A_2, %add3A_195 : i32
    %dma_start3A_197 = arith.constant 128 : i32
    %dma_start3A_198 = arith.constant 0 : i32
    %dma_start3A_199 = tpu.memref_slice %arg6[%dma_start3A_197, %dma_start3A_198] : memref<512x128xf32, #tpu.memory_space<vmem>> -> memref<64x128xf32, #tpu.memory_space<vmem>>
    %dma_start3A_200 = arith.constant 0 : i32
    %dma_start3A_201 = tpu.memref_slice %arg4[%add3A_196, %dma_start3A_200] : memref<16384x128xf32, #tpu.memory_space<hbm>> -> memref<64x128xf32, #tpu.memory_space<hbm>>
    %dma_start3A_202 = arith.constant 0 : i32
    %dma_start3A_203 = tpu.memref_slice %arg4[%add3A_196, %dma_start3A_202] : memref<16384x128xf32, #tpu.memory_space<hbm>> -> memref<64x128xf32, #tpu.memory_space<hbm>>
    %dma_start3A_204 = arith.constant 128 : i32
    %dma_start3A_205 = arith.constant 0 : i32
    %dma_start3A_206 = tpu.memref_slice %arg6[%dma_start3A_204, %dma_start3A_205] : memref<512x128xf32, #tpu.memory_space<vmem>> -> memref<64x128xf32, #tpu.memory_space<vmem>>
    tpu.enqueue_dma source(%dma_start3A_206 : memref<64x128xf32, #tpu.memory_space<vmem>>) target(%dma_start3A_203 : memref<64x128xf32, #tpu.memory_space<hbm>>) target_semaphore(%arg9 : memref<!tpu.dma_semaphore, #tpu.memory_space<semaphore_mem>>)
    %dma_wait3A_207 = arith.constant 3 : i32
    %dma_wait3A_208 = arith.constant 3 : i32
    %dma_wait3A_209 = arith.constant 192 : i32
    %dma_wait3A_210 = arith.constant 0 : i32
    %dma_wait3A_211 = tpu.memref_slice %arg6[%dma_wait3A_209, %dma_wait3A_210] : memref<512x128xf32, #tpu.memory_space<vmem>> -> memref<64x128xf32, #tpu.memory_space<vmem>>
    %dma_wait3A_212 = arith.constant 0 : i32
    %dma_wait3A_213 = tpu.memref_slice %arg5[%dma_wait3A_207, %dma_wait3A_212] : memref<8x64xi32, #tpu.memory_space<vmem>> -> memref<1x64xi32, #tpu.memory_space<vmem>>
    %dma_wait3A_214 = tpu.memref_squeeze %dma_wait3A_213 : memref<1x64xi32, #tpu.memory_space<vmem>> -> memref<64xi32, #tpu.memory_space<vmem>>
    %dma_wait3A_215 = arith.constant 0 : i32
    %dma_wait3A_216 = arith.constant 0 : i32
    %dma_wait3A_217 = tpu.memref_slice %arg7[%dma_wait3A_215, %dma_wait3A_216] : memref<1000x128xf32, #tpu.memory_space<vmem_shared>> -> memref<1000x128xf32, #tpu.memory_space<vmem_shared>>
    %dma_wait3A_218 = tpu.memref_slice %arg8[%dma_wait3A_208] : memref<8x!tpu.dma_semaphore, #tpu.memory_space<semaphore_mem>> -> memref<1x!tpu.dma_semaphore, #tpu.memory_space<semaphore_mem>>
    %dma_wait3A_219 = tpu.memref_squeeze %dma_wait3A_218 : memref<1x!tpu.dma_semaphore, #tpu.memory_space<semaphore_mem>> -> memref<!tpu.dma_semaphore, #tpu.memory_space<semaphore_mem>>
    tpu.wait_indirect_dma semaphore(%dma_wait3A_219 : memref<!tpu.dma_semaphore, #tpu.memory_space<semaphore_mem>>) src(%dma_wait3A_217 : memref<1000x128xf32, #tpu.memory_space<vmem_shared>>) dst(%dma_wait3A_211 : memref<64x128xf32, #tpu.memory_space<vmem>>)
    %add3A_220 = arith.constant 192 : i32
    %add3A_221 = arith.addi %mul3A_2, %add3A_220 : i32
    %dma_start3A_222 = arith.constant 192 : i32
    %dma_start3A_223 = arith.constant 0 : i32
    %dma_start3A_224 = tpu.memref_slice %arg6[%dma_start3A_222, %dma_start3A_223] : memref<512x128xf32, #tpu.memory_space<vmem>> -> memref<64x128xf32, #tpu.memory_space<vmem>>
    %dma_start3A_225 = arith.constant 0 : i32
    %dma_start3A_226 = tpu.memref_slice %arg4[%add3A_221, %dma_start3A_225] : memref<16384x128xf32, #tpu.memory_space<hbm>> -> memref<64x128xf32, #tpu.memory_space<hbm>>
    %dma_start3A_227 = arith.constant 0 : i32
    %dma_start3A_228 = tpu.memref_slice %arg4[%add3A_221, %dma_start3A_227] : memref<16384x128xf32, #tpu.memory_space<hbm>> -> memref<64x128xf32, #tpu.memory_space<hbm>>
    %dma_start3A_229 = arith.constant 192 : i32
    %dma_start3A_230 = arith.constant 0 : i32
    %dma_start3A_231 = tpu.memref_slice %arg6[%dma_start3A_229, %dma_start3A_230] : memref<512x128xf32, #tpu.memory_space<vmem>> -> memref<64x128xf32, #tpu.memory_space<vmem>>
    tpu.enqueue_dma source(%dma_start3A_231 : memref<64x128xf32, #tpu.memory_space<vmem>>) target(%dma_start3A_228 : memref<64x128xf32, #tpu.memory_space<hbm>>) target_semaphore(%arg9 : memref<!tpu.dma_semaphore, #tpu.memory_space<semaphore_mem>>)
    %dma_wait3A_232 = arith.constant 4 : i32
    %dma_wait3A_233 = arith.constant 4 : i32
    %dma_wait3A_234 = arith.constant 256 : i32
    %dma_wait3A_235 = arith.constant 0 : i32
    %dma_wait3A_236 = tpu.memref_slice %arg6[%dma_wait3A_234, %dma_wait3A_235] : memref<512x128xf32, #tpu.memory_space<vmem>> -> memref<64x128xf32, #tpu.memory_space<vmem>>
    %dma_wait3A_237 = arith.constant 0 : i32
    %dma_wait3A_238 = tpu.memref_slice %arg5[%dma_wait3A_232, %dma_wait3A_237] : memref<8x64xi32, #tpu.memory_space<vmem>> -> memref<1x64xi32, #tpu.memory_space<vmem>>
    %dma_wait3A_239 = tpu.memref_squeeze %dma_wait3A_238 : memref<1x64xi32, #tpu.memory_space<vmem>> -> memref<64xi32, #tpu.memory_space<vmem>>
    %dma_wait3A_240 = arith.constant 0 : i32
    %dma_wait3A_241 = arith.constant 0 : i32
    %dma_wait3A_242 = tpu.memref_slice %arg7[%dma_wait3A_240, %dma_wait3A_241] : memref<1000x128xf32, #tpu.memory_space<vmem_shared>> -> memref<1000x128xf32, #tpu.memory_space<vmem_shared>>
    %dma_wait3A_243 = tpu.memref_slice %arg8[%dma_wait3A_233] : memref<8x!tpu.dma_semaphore, #tpu.memory_space<semaphore_mem>> -> memref<1x!tpu.dma_semaphore, #tpu.memory_space<semaphore_mem>>
    %dma_wait3A_244 = tpu.memref_squeeze %dma_wait3A_243 : memref<1x!tpu.dma_semaphore, #tpu.memory_space<semaphore_mem>> -> memref<!tpu.dma_semaphore, #tpu.memory_space<semaphore_mem>>
    tpu.wait_indirect_dma semaphore(%dma_wait3A_244 : memref<!tpu.dma_semaphore, #tpu.memory_space<semaphore_mem>>) src(%dma_wait3A_242 : memref<1000x128xf32, #tpu.memory_space<vmem_shared>>) dst(%dma_wait3A_236 : memref<64x128xf32, #tpu.memory_space<vmem>>)
    %add3A_245 = arith.constant 256 : i32
    %add3A_246 = arith.addi %mul3A_2, %add3A_245 : i32
    %dma_start3A_247 = arith.constant 256 : i32
    %dma_start3A_248 = arith.constant 0 : i32
    %dma_start3A_249 = tpu.memref_slice %arg6[%dma_start3A_247, %dma_start3A_248] : memref<512x128xf32, #tpu.memory_space<vmem>> -> memref<64x128xf32, #tpu.memory_space<vmem>>
    %dma_start3A_250 = arith.constant 0 : i32
    %dma_start3A_251 = tpu.memref_slice %arg4[%add3A_246, %dma_start3A_250] : memref<16384x128xf32, #tpu.memory_space<hbm>> -> memref<64x128xf32, #tpu.memory_space<hbm>>
    %dma_start3A_252 = arith.constant 0 : i32
    %dma_start3A_253 = tpu.memref_slice %arg4[%add3A_246, %dma_start3A_252] : memref<16384x128xf32, #tpu.memory_space<hbm>> -> memref<64x128xf32, #tpu.memory_space<hbm>>
    %dma_start3A_254 = arith.constant 256 : i32
    %dma_start3A_255 = arith.constant 0 : i32
    %dma_start3A_256 = tpu.memref_slice %arg6[%dma_start3A_254, %dma_start3A_255] : memref<512x128xf32, #tpu.memory_space<vmem>> -> memref<64x128xf32, #tpu.memory_space<vmem>>
    tpu.enqueue_dma source(%dma_start3A_256 : memref<64x128xf32, #tpu.memory_space<vmem>>) target(%dma_start3A_253 : memref<64x128xf32, #tpu.memory_space<hbm>>) target_semaphore(%arg9 : memref<!tpu.dma_semaphore, #tpu.memory_space<semaphore_mem>>)
    %dma_wait3A_257 = arith.constant 5 : i32
    %dma_wait3A_258 = arith.constant 5 : i32
    %dma_wait3A_259 = arith.constant 320 : i32
    %dma_wait3A_260 = arith.constant 0 : i32
    %dma_wait3A_261 = tpu.memref_slice %arg6[%dma_wait3A_259, %dma_wait3A_260] : memref<512x128xf32, #tpu.memory_space<vmem>> -> memref<64x128xf32, #tpu.memory_space<vmem>>
    %dma_wait3A_262 = arith.constant 0 : i32
    %dma_wait3A_263 = tpu.memref_slice %arg5[%dma_wait3A_257, %dma_wait3A_262] : memref<8x64xi32, #tpu.memory_space<vmem>> -> memref<1x64xi32, #tpu.memory_space<vmem>>
    %dma_wait3A_264 = tpu.memref_squeeze %dma_wait3A_263 : memref<1x64xi32, #tpu.memory_space<vmem>> -> memref<64xi32, #tpu.memory_space<vmem>>
    %dma_wait3A_265 = arith.constant 0 : i32
    %dma_wait3A_266 = arith.constant 0 : i32
    %dma_wait3A_267 = tpu.memref_slice %arg7[%dma_wait3A_265, %dma_wait3A_266] : memref<1000x128xf32, #tpu.memory_space<vmem_shared>> -> memref<1000x128xf32, #tpu.memory_space<vmem_shared>>
    %dma_wait3A_268 = tpu.memref_slice %arg8[%dma_wait3A_258] : memref<8x!tpu.dma_semaphore, #tpu.memory_space<semaphore_mem>> -> memref<1x!tpu.dma_semaphore, #tpu.memory_space<semaphore_mem>>
    %dma_wait3A_269 = tpu.memref_squeeze %dma_wait3A_268 : memref<1x!tpu.dma_semaphore, #tpu.memory_space<semaphore_mem>> -> memref<!tpu.dma_semaphore, #tpu.memory_space<semaphore_mem>>
    tpu.wait_indirect_dma semaphore(%dma_wait3A_269 : memref<!tpu.dma_semaphore, #tpu.memory_space<semaphore_mem>>) src(%dma_wait3A_267 : memref<1000x128xf32, #tpu.memory_space<vmem_shared>>) dst(%dma_wait3A_261 : memref<64x128xf32, #tpu.memory_space<vmem>>)
    %add3A_270 = arith.constant 320 : i32
    %add3A_271 = arith.addi %mul3A_2, %add3A_270 : i32
    %dma_start3A_272 = arith.constant 320 : i32
    %dma_start3A_273 = arith.constant 0 : i32
    %dma_start3A_274 = tpu.memref_slice %arg6[%dma_start3A_272, %dma_start3A_273] : memref<512x128xf32, #tpu.memory_space<vmem>> -> memref<64x128xf32, #tpu.memory_space<vmem>>
    %dma_start3A_275 = arith.constant 0 : i32
    %dma_start3A_276 = tpu.memref_slice %arg4[%add3A_271, %dma_start3A_275] : memref<16384x128xf32, #tpu.memory_space<hbm>> -> memref<64x128xf32, #tpu.memory_space<hbm>>
    %dma_start3A_277 = arith.constant 0 : i32
    %dma_start3A_278 = tpu.memref_slice %arg4[%add3A_271, %dma_start3A_277] : memref<16384x128xf32, #tpu.memory_space<hbm>> -> memref<64x128xf32, #tpu.memory_space<hbm>>
    %dma_start3A_279 = arith.constant 320 : i32
    %dma_start3A_280 = arith.constant 0 : i32
    %dma_start3A_281 = tpu.memref_slice %arg6[%dma_start3A_279, %dma_start3A_280] : memref<512x128xf32, #tpu.memory_space<vmem>> -> memref<64x128xf32, #tpu.memory_space<vmem>>
    tpu.enqueue_dma source(%dma_start3A_281 : memref<64x128xf32, #tpu.memory_space<vmem>>) target(%dma_start3A_278 : memref<64x128xf32, #tpu.memory_space<hbm>>) target_semaphore(%arg9 : memref<!tpu.dma_semaphore, #tpu.memory_space<semaphore_mem>>)
    %dma_wait3A_282 = arith.constant 6 : i32
    %dma_wait3A_283 = arith.constant 6 : i32
    %dma_wait3A_284 = arith.constant 384 : i32
    %dma_wait3A_285 = arith.constant 0 : i32
    %dma_wait3A_286 = tpu.memref_slice %arg6[%dma_wait3A_284, %dma_wait3A_285] : memref<512x128xf32, #tpu.memory_space<vmem>> -> memref<64x128xf32, #tpu.memory_space<vmem>>
    %dma_wait3A_287 = arith.constant 0 : i32
    %dma_wait3A_288 = tpu.memref_slice %arg5[%dma_wait3A_282, %dma_wait3A_287] : memref<8x64xi32, #tpu.memory_space<vmem>> -> memref<1x64xi32, #tpu.memory_space<vmem>>
    %dma_wait3A_289 = tpu.memref_squeeze %dma_wait3A_288 : memref<1x64xi32, #tpu.memory_space<vmem>> -> memref<64xi32, #tpu.memory_space<vmem>>
    %dma_wait3A_290 = arith.constant 0 : i32
    %dma_wait3A_291 = arith.constant 0 : i32
    %dma_wait3A_292 = tpu.memref_slice %arg7[%dma_wait3A_290, %dma_wait3A_291] : memref<1000x128xf32, #tpu.memory_space<vmem_shared>> -> memref<1000x128xf32, #tpu.memory_space<vmem_shared>>
    %dma_wait3A_293 = tpu.memref_slice %arg8[%dma_wait3A_283] : memref<8x!tpu.dma_semaphore, #tpu.memory_space<semaphore_mem>> -> memref<1x!tpu.dma_semaphore, #tpu.memory_space<semaphore_mem>>
    %dma_wait3A_294 = tpu.memref_squeeze %dma_wait3A_293 : memref<1x!tpu.dma_semaphore, #tpu.memory_space<semaphore_mem>> -> memref<!tpu.dma_semaphore, #tpu.memory_space<semaphore_mem>>
    tpu.wait_indirect_dma semaphore(%dma_wait3A_294 : memref<!tpu.dma_semaphore, #tpu.memory_space<semaphore_mem>>) src(%dma_wait3A_292 : memref<1000x128xf32, #tpu.memory_space<vmem_shared>>) dst(%dma_wait3A_286 : memref<64x128xf32, #tpu.memory_space<vmem>>)
    %add3A_295 = arith.constant 384 : i32
    %add3A_296 = arith.addi %mul3A_2, %add3A_295 : i32
    %dma_start3A_297 = arith.constant 384 : i32
    %dma_start3A_298 = arith.constant 0 : i32
    %dma_start3A_299 = tpu.memref_slice %arg6[%dma_start3A_297, %dma_start3A_298] : memref<512x128xf32, #tpu.memory_space<vmem>> -> memref<64x128xf32, #tpu.memory_space<vmem>>
    %dma_start3A_300 = arith.constant 0 : i32
    %dma_start3A_301 = tpu.memref_slice %arg4[%add3A_296, %dma_start3A_300] : memref<16384x128xf32, #tpu.memory_space<hbm>> -> memref<64x128xf32, #tpu.memory_space<hbm>>
    %dma_start3A_302 = arith.constant 0 : i32
    %dma_start3A_303 = tpu.memref_slice %arg4[%add3A_296, %dma_start3A_302] : memref<16384x128xf32, #tpu.memory_space<hbm>> -> memref<64x128xf32, #tpu.memory_space<hbm>>
    %dma_start3A_304 = arith.constant 384 : i32
    %dma_start3A_305 = arith.constant 0 : i32
    %dma_start3A_306 = tpu.memref_slice %arg6[%dma_start3A_304, %dma_start3A_305] : memref<512x128xf32, #tpu.memory_space<vmem>> -> memref<64x128xf32, #tpu.memory_space<vmem>>
    tpu.enqueue_dma source(%dma_start3A_306 : memref<64x128xf32, #tpu.memory_space<vmem>>) target(%dma_start3A_303 : memref<64x128xf32, #tpu.memory_space<hbm>>) target_semaphore(%arg9 : memref<!tpu.dma_semaphore, #tpu.memory_space<semaphore_mem>>)
    %dma_wait3A_307 = arith.constant 7 : i32
    %dma_wait3A_308 = arith.constant 7 : i32
    %dma_wait3A_309 = arith.constant 448 : i32
    %dma_wait3A_310 = arith.constant 0 : i32
    %dma_wait3A_311 = tpu.memref_slice %arg6[%dma_wait3A_309, %dma_wait3A_310] : memref<512x128xf32, #tpu.memory_space<vmem>> -> memref<64x128xf32, #tpu.memory_space<vmem>>
    %dma_wait3A_312 = arith.constant 0 : i32
    %dma_wait3A_313 = tpu.memref_slice %arg5[%dma_wait3A_307, %dma_wait3A_312] : memref<8x64xi32, #tpu.memory_space<vmem>> -> memref<1x64xi32, #tpu.memory_space<vmem>>
    %dma_wait3A_314 = tpu.memref_squeeze %dma_wait3A_313 : memref<1x64xi32, #tpu.memory_space<vmem>> -> memref<64xi32, #tpu.memory_space<vmem>>
    %dma_wait3A_315 = arith.constant 0 : i32
    %dma_wait3A_316 = arith.constant 0 : i32
    %dma_wait3A_317 = tpu.memref_slice %arg7[%dma_wait3A_315, %dma_wait3A_316] : memref<1000x128xf32, #tpu.memory_space<vmem_shared>> -> memref<1000x128xf32, #tpu.memory_space<vmem_shared>>
    %dma_wait3A_318 = tpu.memref_slice %arg8[%dma_wait3A_308] : memref<8x!tpu.dma_semaphore, #tpu.memory_space<semaphore_mem>> -> memref<1x!tpu.dma_semaphore, #tpu.memory_space<semaphore_mem>>
    %dma_wait3A_319 = tpu.memref_squeeze %dma_wait3A_318 : memref<1x!tpu.dma_semaphore, #tpu.memory_space<semaphore_mem>> -> memref<!tpu.dma_semaphore, #tpu.memory_space<semaphore_mem>>
    tpu.wait_indirect_dma semaphore(%dma_wait3A_319 : memref<!tpu.dma_semaphore, #tpu.memory_space<semaphore_mem>>) src(%dma_wait3A_317 : memref<1000x128xf32, #tpu.memory_space<vmem_shared>>) dst(%dma_wait3A_311 : memref<64x128xf32, #tpu.memory_space<vmem>>)
    %add3A_320 = arith.constant 448 : i32
    %add3A_321 = arith.addi %mul3A_2, %add3A_320 : i32
    %dma_start3A_322 = arith.constant 448 : i32
    %dma_start3A_323 = arith.constant 0 : i32
    %dma_start3A_324 = tpu.memref_slice %arg6[%dma_start3A_322, %dma_start3A_323] : memref<512x128xf32, #tpu.memory_space<vmem>> -> memref<64x128xf32, #tpu.memory_space<vmem>>
    %dma_start3A_325 = arith.constant 0 : i32
    %dma_start3A_326 = tpu.memref_slice %arg4[%add3A_321, %dma_start3A_325] : memref<16384x128xf32, #tpu.memory_space<hbm>> -> memref<64x128xf32, #tpu.memory_space<hbm>>
    %dma_start3A_327 = arith.constant 0 : i32
    %dma_start3A_328 = tpu.memref_slice %arg4[%add3A_321, %dma_start3A_327] : memref<16384x128xf32, #tpu.memory_space<hbm>> -> memref<64x128xf32, #tpu.memory_space<hbm>>
    %dma_start3A_329 = arith.constant 448 : i32
    %dma_start3A_330 = arith.constant 0 : i32
    %dma_start3A_331 = tpu.memref_slice %arg6[%dma_start3A_329, %dma_start3A_330] : memref<512x128xf32, #tpu.memory_space<vmem>> -> memref<64x128xf32, #tpu.memory_space<vmem>>
    tpu.enqueue_dma source(%dma_start3A_331 : memref<64x128xf32, #tpu.memory_space<vmem>>) target(%dma_start3A_328 : memref<64x128xf32, #tpu.memory_space<hbm>>) target_semaphore(%arg9 : memref<!tpu.dma_semaphore, #tpu.memory_space<semaphore_mem>>)
    %dma_wait3A_332 = arith.constant 0 : i32
    %dma_wait3A_333 = arith.constant 0 : i32
    %dma_wait3A_334 = tpu.memref_slice %arg6[%dma_wait3A_332, %dma_wait3A_333] : memref<512x128xf32, #tpu.memory_space<vmem>> -> memref<64x128xf32, #tpu.memory_space<vmem>>
    %dma_wait3A_335 = arith.constant 0 : i32
    %dma_wait3A_336 = tpu.memref_slice %arg4[%add3A_146, %dma_wait3A_335] : memref<16384x128xf32, #tpu.memory_space<hbm>> -> memref<64x128xf32, #tpu.memory_space<hbm>>
    %dma_wait3A_337 = arith.constant 0 : i32
    %dma_wait3A_338 = tpu.memref_slice %arg4[%add3A_146, %dma_wait3A_337] : memref<16384x128xf32, #tpu.memory_space<hbm>> -> memref<64x128xf32, #tpu.memory_space<hbm>>
    %dma_wait3A_339 = arith.constant 0 : i32
    %dma_wait3A_340 = arith.constant 0 : i32
    %dma_wait3A_341 = tpu.memref_slice %arg6[%dma_wait3A_339, %dma_wait3A_340] : memref<512x128xf32, #tpu.memory_space<vmem>> -> memref<64x128xf32, #tpu.memory_space<vmem>>
    tpu.wait_dma2 semaphore(%arg9 : memref<!tpu.dma_semaphore, #tpu.memory_space<semaphore_mem>>) src(%dma_wait3A_341 : memref<64x128xf32, #tpu.memory_space<vmem>>) dst(%dma_wait3A_338 : memref<64x128xf32, #tpu.memory_space<hbm>>)
    %dma_wait3A_342 = arith.constant 64 : i32
    %dma_wait3A_343 = arith.constant 0 : i32
    %dma_wait3A_344 = tpu.memref_slice %arg6[%dma_wait3A_342, %dma_wait3A_343] : memref<512x128xf32, #tpu.memory_space<vmem>> -> memref<64x128xf32, #tpu.memory_space<vmem>>
    %dma_wait3A_345 = arith.constant 0 : i32
    %dma_wait3A_346 = tpu.memref_slice %arg4[%add3A_171, %dma_wait3A_345] : memref<16384x128xf32, #tpu.memory_space<hbm>> -> memref<64x128xf32, #tpu.memory_space<hbm>>
    %dma_wait3A_347 = arith.constant 0 : i32
    %dma_wait3A_348 = tpu.memref_slice %arg4[%add3A_171, %dma_wait3A_347] : memref<16384x128xf32, #tpu.memory_space<hbm>> -> memref<64x128xf32, #tpu.memory_space<hbm>>
    %dma_wait3A_349 = arith.constant 64 : i32
    %dma_wait3A_350 = arith.constant 0 : i32
    %dma_wait3A_351 = tpu.memref_slice %arg6[%dma_wait3A_349, %dma_wait3A_350] : memref<512x128xf32, #tpu.memory_space<vmem>> -> memref<64x128xf32, #tpu.memory_space<vmem>>
    tpu.wait_dma2 semaphore(%arg9 : memref<!tpu.dma_semaphore, #tpu.memory_space<semaphore_mem>>) src(%dma_wait3A_351 : memref<64x128xf32, #tpu.memory_space<vmem>>) dst(%dma_wait3A_348 : memref<64x128xf32, #tpu.memory_space<hbm>>)
    %dma_wait3A_352 = arith.constant 128 : i32
    %dma_wait3A_353 = arith.constant 0 : i32
    %dma_wait3A_354 = tpu.memref_slice %arg6[%dma_wait3A_352, %dma_wait3A_353] : memref<512x128xf32, #tpu.memory_space<vmem>> -> memref<64x128xf32, #tpu.memory_space<vmem>>
    %dma_wait3A_355 = arith.constant 0 : i32
    %dma_wait3A_356 = tpu.memref_slice %arg4[%add3A_196, %dma_wait3A_355] : memref<16384x128xf32, #tpu.memory_space<hbm>> -> memref<64x128xf32, #tpu.memory_space<hbm>>
    %dma_wait3A_357 = arith.constant 0 : i32
    %dma_wait3A_358 = tpu.memref_slice %arg4[%add3A_196, %dma_wait3A_357] : memref<16384x128xf32, #tpu.memory_space<hbm>> -> memref<64x128xf32, #tpu.memory_space<hbm>>
    %dma_wait3A_359 = arith.constant 128 : i32
    %dma_wait3A_360 = arith.constant 0 : i32
    %dma_wait3A_361 = tpu.memref_slice %arg6[%dma_wait3A_359, %dma_wait3A_360] : memref<512x128xf32, #tpu.memory_space<vmem>> -> memref<64x128xf32, #tpu.memory_space<vmem>>
    tpu.wait_dma2 semaphore(%arg9 : memref<!tpu.dma_semaphore, #tpu.memory_space<semaphore_mem>>) src(%dma_wait3A_361 : memref<64x128xf32, #tpu.memory_space<vmem>>) dst(%dma_wait3A_358 : memref<64x128xf32, #tpu.memory_space<hbm>>)
    %dma_wait3A_362 = arith.constant 192 : i32
    %dma_wait3A_363 = arith.constant 0 : i32
    %dma_wait3A_364 = tpu.memref_slice %arg6[%dma_wait3A_362, %dma_wait3A_363] : memref<512x128xf32, #tpu.memory_space<vmem>> -> memref<64x128xf32, #tpu.memory_space<vmem>>
    %dma_wait3A_365 = arith.constant 0 : i32
    %dma_wait3A_366 = tpu.memref_slice %arg4[%add3A_221, %dma_wait3A_365] : memref<16384x128xf32, #tpu.memory_space<hbm>> -> memref<64x128xf32, #tpu.memory_space<hbm>>
    %dma_wait3A_367 = arith.constant 0 : i32
    %dma_wait3A_368 = tpu.memref_slice %arg4[%add3A_221, %dma_wait3A_367] : memref<16384x128xf32, #tpu.memory_space<hbm>> -> memref<64x128xf32, #tpu.memory_space<hbm>>
    %dma_wait3A_369 = arith.constant 192 : i32
    %dma_wait3A_370 = arith.constant 0 : i32
    %dma_wait3A_371 = tpu.memref_slice %arg6[%dma_wait3A_369, %dma_wait3A_370] : memref<512x128xf32, #tpu.memory_space<vmem>> -> memref<64x128xf32, #tpu.memory_space<vmem>>
    tpu.wait_dma2 semaphore(%arg9 : memref<!tpu.dma_semaphore, #tpu.memory_space<semaphore_mem>>) src(%dma_wait3A_371 : memref<64x128xf32, #tpu.memory_space<vmem>>) dst(%dma_wait3A_368 : memref<64x128xf32, #tpu.memory_space<hbm>>)
    %dma_wait3A_372 = arith.constant 256 : i32
    %dma_wait3A_373 = arith.constant 0 : i32
    %dma_wait3A_374 = tpu.memref_slice %arg6[%dma_wait3A_372, %dma_wait3A_373] : memref<512x128xf32, #tpu.memory_space<vmem>> -> memref<64x128xf32, #tpu.memory_space<vmem>>
    %dma_wait3A_375 = arith.constant 0 : i32
    %dma_wait3A_376 = tpu.memref_slice %arg4[%add3A_246, %dma_wait3A_375] : memref<16384x128xf32, #tpu.memory_space<hbm>> -> memref<64x128xf32, #tpu.memory_space<hbm>>
    %dma_wait3A_377 = arith.constant 0 : i32
    %dma_wait3A_378 = tpu.memref_slice %arg4[%add3A_246, %dma_wait3A_377] : memref<16384x128xf32, #tpu.memory_space<hbm>> -> memref<64x128xf32, #tpu.memory_space<hbm>>
    %dma_wait3A_379 = arith.constant 256 : i32
    %dma_wait3A_380 = arith.constant 0 : i32
    %dma_wait3A_381 = tpu.memref_slice %arg6[%dma_wait3A_379, %dma_wait3A_380] : memref<512x128xf32, #tpu.memory_space<vmem>> -> memref<64x128xf32, #tpu.memory_space<vmem>>
    tpu.wait_dma2 semaphore(%arg9 : memref<!tpu.dma_semaphore, #tpu.memory_space<semaphore_mem>>) src(%dma_wait3A_381 : memref<64x128xf32, #tpu.memory_space<vmem>>) dst(%dma_wait3A_378 : memref<64x128xf32, #tpu.memory_space<hbm>>)
    %dma_wait3A_382 = arith.constant 320 : i32
    %dma_wait3A_383 = arith.constant 0 : i32
    %dma_wait3A_384 = tpu.memref_slice %arg6[%dma_wait3A_382, %dma_wait3A_383] : memref<512x128xf32, #tpu.memory_space<vmem>> -> memref<64x128xf32, #tpu.memory_space<vmem>>
    %dma_wait3A_385 = arith.constant 0 : i32
    %dma_wait3A_386 = tpu.memref_slice %arg4[%add3A_271, %dma_wait3A_385] : memref<16384x128xf32, #tpu.memory_space<hbm>> -> memref<64x128xf32, #tpu.memory_space<hbm>>
    %dma_wait3A_387 = arith.constant 0 : i32
    %dma_wait3A_388 = tpu.memref_slice %arg4[%add3A_271, %dma_wait3A_387] : memref<16384x128xf32, #tpu.memory_space<hbm>> -> memref<64x128xf32, #tpu.memory_space<hbm>>
    %dma_wait3A_389 = arith.constant 320 : i32
    %dma_wait3A_390 = arith.constant 0 : i32
    %dma_wait3A_391 = tpu.memref_slice %arg6[%dma_wait3A_389, %dma_wait3A_390] : memref<512x128xf32, #tpu.memory_space<vmem>> -> memref<64x128xf32, #tpu.memory_space<vmem>>
    tpu.wait_dma2 semaphore(%arg9 : memref<!tpu.dma_semaphore, #tpu.memory_space<semaphore_mem>>) src(%dma_wait3A_391 : memref<64x128xf32, #tpu.memory_space<vmem>>) dst(%dma_wait3A_388 : memref<64x128xf32, #tpu.memory_space<hbm>>)
    %dma_wait3A_392 = arith.constant 384 : i32
    %dma_wait3A_393 = arith.constant 0 : i32
    %dma_wait3A_394 = tpu.memref_slice %arg6[%dma_wait3A_392, %dma_wait3A_393] : memref<512x128xf32, #tpu.memory_space<vmem>> -> memref<64x128xf32, #tpu.memory_space<vmem>>
    %dma_wait3A_395 = arith.constant 0 : i32
    %dma_wait3A_396 = tpu.memref_slice %arg4[%add3A_296, %dma_wait3A_395] : memref<16384x128xf32, #tpu.memory_space<hbm>> -> memref<64x128xf32, #tpu.memory_space<hbm>>
    %dma_wait3A_397 = arith.constant 0 : i32
    %dma_wait3A_398 = tpu.memref_slice %arg4[%add3A_296, %dma_wait3A_397] : memref<16384x128xf32, #tpu.memory_space<hbm>> -> memref<64x128xf32, #tpu.memory_space<hbm>>
    %dma_wait3A_399 = arith.constant 384 : i32
    %dma_wait3A_400 = arith.constant 0 : i32
    %dma_wait3A_401 = tpu.memref_slice %arg6[%dma_wait3A_399, %dma_wait3A_400] : memref<512x128xf32, #tpu.memory_space<vmem>> -> memref<64x128xf32, #tpu.memory_space<vmem>>
    tpu.wait_dma2 semaphore(%arg9 : memref<!tpu.dma_semaphore, #tpu.memory_space<semaphore_mem>>) src(%dma_wait3A_401 : memref<64x128xf32, #tpu.memory_space<vmem>>) dst(%dma_wait3A_398 : memref<64x128xf32, #tpu.memory_space<hbm>>)
    %dma_wait3A_402 = arith.constant 448 : i32
    %dma_wait3A_403 = arith.constant 0 : i32
    %dma_wait3A_404 = tpu.memref_slice %arg6[%dma_wait3A_402, %dma_wait3A_403] : memref<512x128xf32, #tpu.memory_space<vmem>> -> memref<64x128xf32, #tpu.memory_space<vmem>>
    %dma_wait3A_405 = arith.constant 0 : i32
    %dma_wait3A_406 = tpu.memref_slice %arg4[%add3A_321, %dma_wait3A_405] : memref<16384x128xf32, #tpu.memory_space<hbm>> -> memref<64x128xf32, #tpu.memory_space<hbm>>
    %dma_wait3A_407 = arith.constant 0 : i32
    %dma_wait3A_408 = tpu.memref_slice %arg4[%add3A_321, %dma_wait3A_407] : memref<16384x128xf32, #tpu.memory_space<hbm>> -> memref<64x128xf32, #tpu.memory_space<hbm>>
    %dma_wait3A_409 = arith.constant 448 : i32
    %dma_wait3A_410 = arith.constant 0 : i32
    %dma_wait3A_411 = tpu.memref_slice %arg6[%dma_wait3A_409, %dma_wait3A_410] : memref<512x128xf32, #tpu.memory_space<vmem>> -> memref<64x128xf32, #tpu.memory_space<vmem>>
    tpu.wait_dma2 semaphore(%arg9 : memref<!tpu.dma_semaphore, #tpu.memory_space<semaphore_mem>>) src(%dma_wait3A_411 : memref<64x128xf32, #tpu.memory_space<vmem>>) dst(%dma_wait3A_408 : memref<64x128xf32, #tpu.memory_space<hbm>>)
    return
  }
}

</mosaic_0001>

<sc_bundles>
// kernel: kernel.3.cloned.1.call-start
scs
__scs_entry_jumppad:
0x0: {  	(pc) =	sbr.rel $0x88, $3  }
0x1: {  	(tag) =	ssettag $0x0;
	lr =	simm.s32 $0x1  }
0x2: {  	[smem:$0x3F9F] =	sst lr;
	_ =	strace $0xD0000000  }
0x3: {  	_ = 	snop  }
0x4: {  	_ = 	snop  }
0x5: {  	_ = 	snop  }
0x6: {  	_ = 	snop  }
0x7: {  	_ = 	snop  }
__scs_overlays_trampoline_lowered:
0x8: {  	[smem:$0x3FAE] =	sst s0  }
0x9: {  	[smem:$0x3FAF] =	sst s1  }
0xa: {  	[smem:$0x3FB0] =	sst s2  }
0xb: {  	[smem:$0x3FB1] =	sst s3  }
0xc: {  	[smem:$0x3FB2] =	sst s4  }
0xd: {  	[smem:$0x3FB3] =	sst s5  }
0xe: {  	[smem:$0x3FB4] =	sst s6  }
0xf: {  	[smem:$0x3FB5] =	sst s7  }
0x10: {  	[smem:$0x3FB6] =	sst s8  }
0x11: {  	[smem:$0x3FB7] =	sst s9;
	s0 =	simm.s32 @!p0 $0x0  }
0x12: {  	s1 =	sld [smem:$0x3F9D];
	s0 =	simm.s32 @p0 $0x1  }
0x13: {  	[smem:$0x3FB8] =	sst s0;
	s0 =	simm.s32 @!p1 $0x0  }
0x14: {  	s2 =	sld [smem:$0x3F9C];
	s0 =	simm.s32 @p1 $0x1  }
0x15: {  	[smem:$0x3FB9] =	sst s0;
	s0 =	simm.s32 @!p2 $0x0  }
0x16: {  	s3 =	sld [smem:$0x3FDB];
	s0 =	simm.s32 @p2 $0x1  }
0x17: {  	s4 =	simm.s32 $0x1BF5;
	[smem:$0x3FBB] =	sst s0  }
0x18: {  	s0 =	sld [smem:$0x3F9E];
	_ =	swait.ge [sflag:s4], $0x0  }
0x19: {  	s7 =	sld [smem:$0x3F9F]  }
0x1a: {  	s8 =	sadd.s32 $0xFFFFE003, lr  }
0x1b: {  	s9 =	sadd.s32 $0xFFFFFEF7, lr;
	s5 =	simm.s32 $0xFFFFFFFF;
	p2 =	slt.u32 s8, $0xFFFFF086  }
0x1c: {  	p1 =	slt.u32 s9, $0xF7A;
	s5 =	simm.s32 @!p2 $0x0  }
0x1d: {  	s5 =	simm.s32 @p1 $0x1;
	p0 =	seq.s32 s7, s2  }
0x1e: {  	s7 =	smul.u32 @!p0 $0xF7A, s2;
	p2 =	seq.s32 @!p0 s5, $0x0  }
0x1f: {  	s9 =	smul.u32 $0xF7A, s1;
	s8 =	simm.s32 @!p0 $0x1BF5;
	p2 =	por !p2, p0  }
0x20: {  	[sflag:s8] =	ssyncset.s32 @!p0 $0xFFFFF086;
	s6 =	sadd.s32 @!p0 s3, s7;
	s7 =	simm.s32 @!p0 $0x108  }
0x21: {  	s3 =	sadd.s32 s3, s9;
	s6 =	sadd.s32 @!p0 $0x88, s6;
	s7 =	simm.s32 @p2 $0x1082  }
0x22: {  	[simem:s7], [sflag:s8] =	dma.local @!p0 [hbm:s6], $0xF7A  }
0x23: {  	s9 =	sor.u32 $0xD0000000, s2;
	s6 =	simm.s32 $0x108;
	_ =	swait.ge @!p0 [sflag:s8], $0x0  }
0x24: {  	s3 =	sadd.s32 $0x88, s3;
	s6 =	simm.s32 @!p1 $0x1082;
	[sflag:s4] =	ssyncset.s32 $0xFFFFF086  }
0x25: {  	[simem:s6], [sflag:s4] =	dma.local [hbm:s3], $0xF7A  }
0x26: {  	[smem:$0x3F9F] =	sst s1;
	(tag) =	ssettag s2;
	_ =	strace s9  }
0x27: {  	s1 =	sld [smem:$0x3FAF]  }
0x28: {  	s2 =	sld [smem:$0x3FB0]  }
0x29: {  	s4 =	sld [smem:$0x3FB2]  }
0x2a: {  	p0 =	seq.s32 s5, $0x0;
	s5 =	sld [smem:$0x3FB3]  }
0x2b: {  	s6 =	sld [smem:$0x3FB4]  }
0x2c: {  	s7 =	sld [smem:$0x3FB5]  }
0x2d: {  	s3 =	simm.s32 $0x108;
	s8 =	sld [smem:$0x3FB6]  }
0x2e: {  	s3 =	simm.s32 @!p0 $0x1082;
	s9 =	sld [smem:$0x3FB7]  }
0x2f: {  	lr =	sadd.s32 s0, s3;
	s0 =	sld [smem:$0x3FAE]  }
0x30: {  	s3 =	sld [smem:$0x3FB1]  }
0x31: {  	[smem:$0x3FBA] =	sst s10  }
0x32: {  	s10 =	sld [smem:$0x3FB8];
	_ =	sdelay $0x3  }
0x33: {  	p0 =	seq.s32 s10, $0x1;
	s10 =	sld [smem:$0x3FBA];
	_ =	sdelay $0x3  }
0x34: {  	[smem:$0x3FBA] =	sst s10  }
0x35: {  	s10 =	sld [smem:$0x3FB9];
	_ =	sdelay $0x3  }
0x36: {  	p1 =	seq.s32 s10, $0x1;
	s10 =	sld [smem:$0x3FBA];
	_ =	sdelay $0x3  }
0x37: {  	[smem:$0x3FBA] =	sst s10  }
0x38: {  	s10 =	sld [smem:$0x3FBB]  }
0x39: {  	_ = 	snop;
	(pc) =	sbr.ind lr, $3  }
0x3a: {  	_ = 	snop  }
0x3b: {  	_ = 	snop  }
0x3c: {  	p2 =	seq.s32 s10, $0x1;
	s10 =	sld [smem:$0x3FBA]  }
0x3d: {  	_ =	shalt  }
0x3e: {  	_ =	shalt  }
0x3f: {  	_ =	shalt  }
0x40: {  	_ =	shalt  }
0x41: {  	_ =	shalt  }
0x42: {  	_ =	shalt  }
0x43: {  	_ =	shalt  }
0x44: {  	_ =	shalt  }
0x45: {  	_ =	shalt  }
0x46: {  	_ =	shalt  }
0x47: {  	_ =	shalt  }
0x48: {  	_ =	shalt  }
0x49: {  	_ =	shalt  }
0x4a: {  	_ =	shalt  }
0x4b: {  	_ =	shalt  }
0x4c: {  	_ =	shalt  }
0x4d: {  	_ =	shalt  }
0x4e: {  	_ =	shalt  }
0x4f: {  	_ =	shalt  }
0x50: {  	_ =	shalt  }
0x51: {  	_ =	shalt  }
0x52: {  	_ =	shalt  }
0x53: {  	_ =	shalt  }
0x54: {  	_ =	shalt  }
0x55: {  	_ =	shalt  }
0x56: {  	_ =	shalt  }
0x57: {  	_ =	shalt  }
0x58: {  	_ =	shalt  }
0x59: {  	_ =	shalt  }
0x5a: {  	_ =	shalt  }
0x5b: {  	_ =	shalt  }
0x5c: {  	_ =	shalt  }
0x5d: {  	_ =	shalt  }
0x5e: {  	_ =	shalt  }
0x5f: {  	_ =	shalt  }
0x60: {  	_ =	shalt  }
0x61: {  	_ =	shalt  }
0x62: {  	_ =	shalt  }
0x63: {  	_ =	shalt  }
0x64: {  	_ =	shalt  }
0x65: {  	_ =	shalt  }
0x66: {  	_ =	shalt  }
0x67: {  	_ =	shalt  }
0x68: {  	_ =	shalt  }
0x69: {  	_ =	shalt  }
0x6a: {  	_ =	shalt  }
0x6b: {  	_ =	shalt  }
0x6c: {  	_ =	shalt  }
0x6d: {  	_ =	shalt  }
0x6e: {  	_ =	shalt  }
0x6f: {  	_ =	shalt  }
0x70: {  	_ =	shalt  }
0x71: {  	_ =	shalt  }
0x72: {  	_ =	shalt  }
0x73: {  	_ =	shalt  }
0x74: {  	_ =	shalt  }
0x75: {  	_ =	shalt  }
0x76: {  	_ =	shalt  }
0x77: {  	_ =	shalt  }
0x78: {  	_ =	shalt  }
0x79: {  	_ =	shalt  }
0x7a: {  	_ =	shalt  }
0x7b: {  	_ =	shalt  }
0x7c: {  	_ =	shalt  }
0x7d: {  	_ =	shalt  }
0x7e: {  	_ =	shalt  }
0x7f: {  	_ =	shalt  }
0x80: {  	_ =	shalt  }
0x81: {  	_ =	shalt  }
0x82: {  	_ =	shalt  }
0x83: {  	_ =	shalt  }
0x84: {  	_ =	shalt  }
0x85: {  	_ =	shalt  }
0x86: {  	_ =	shalt  }
0x87: {  	_ =	shalt  }
.Lfunc_end0:
.L_simem_size_0:
called_computation_lowered:
.L_overlay_start_0:
0x88: {  	s2 =	sld [smem:$0x3FD9]  }
0x89: {  	s3 =	sld [smem:$0x3FFE];
	_ =	sdelay $0x1  }
0x8a: {  	s1 =	srdreg.scid  }
0x8b: {  	s0 =	sand.u32 $0x1, s1  }
0x8c: {  	s17 =	sshll.u32 s0, $0xA;
	s2 =	sadd.s32 s3, s2  }
0x8d: {  	s2 =	sadd.s32 s2, s17  }
0x8e: {  	[smem:$0x3FC6] =	sst s2  }
0x8f: {  	_ = 	snop  }
0x90: {  	s2 =	sld [smem:$0x3FC8]  }
0x91: {  	s18 =	sld [smem:$0x3FD0];
	(tm) =	ssettm $0x1  }
0x92: {  	s4 =	sld [smem:$0x3FFB];
	_ =	sdelay $0x3  }
0x93: {  	_ =	strace s4  }
0x94: {  	s4 =	sld [smem:$0x3FFC];
	_ =	sdelay $0x3  }
0x95: {  	_ =	strace s4  }
0x96: {  	s4 =	sld [smem:$0x3FFD];
	_ =	sdelay $0x3  }
0x97: {  	_ =	strace s4  }
0x98: {  	_ =	strace $0x8FFFFFFF  }
0x99: {  	s19 =	sld [smem:$0x3FDB];
	_ =	sdelay $0x1  }
0x9a: {  	s5 =	simm.s32 $_scs_section_size  }
0x9b: {  	s6 =	simm.s32 $_size__tile_overlayer_lowered;
	s7 =	simm.s32 $_tile_overlayer_lowered  }
0x9c: {  	s22 =	simm.s32 $0x1BFF;
	s21 =	sshll.u32 s7, $0x1;
	s4 =	sadd.s32 s5, s19  }
0x9d: {  	s8 =	simm.s32 $0x0;
	s20 =	sshll.u32 s6, $0x1;
	s6 =	sadd.s32 s21, s4  }
0x9e: {  	[timem:s8], [sflag:s22] =	dma.local [hbm:s6], s20  }
0x9f: {  	_ =	swait.ge [sflag:s22], s20  }
0xa0: {  	s5 =	ssub.s32 $0x0, s20;
	[sflag:s22] =	ssyncset.done $0x0  }
0xa1: {  	[sflag:s22] =	ssyncadd.s32 s5;
	_ =	sdelay $0x1  }
0xa2: {  	s23 =	simm.s32 $0x1B8B  }
0xa3: {  	_ =	swait.ge [sflag:s23], $0x1  }
0xa4: {  	[sflag:s23] =	ssyncset.done $0x0  }
0xa5: {  	s25 =	simm.s32 $0x1B8E;
	s24 =	sld [smem:$0x3FFE];
	[sflag:s23] =	ssyncadd.s32 $0xFFFFFFFF  }
0xa6: {  	s26 =	simm.s32 $execute0_lowered;
	[smem:$0x3FD2] =	sst s25  }
0xa7: {  	s6 =	sshll.u32 s26, $0x1;
	_ =	strace $0x80000046;
	[dreg:$0x1] =	wrdreg $0xFFFFFFFF  }
0xa8: {  	s28 =	simm.s32 $_size_execute0_lowered;
	s4 =	sadd.s32 s4, s6;
	[dreg:$0x0] =	wrdreg $0x0  }
0xa9: {  	s6 =	sshll.u32 s28, $0x1;
	[dreg:$0x2] =	wrdreg s4  }
0xaa: {  	[dreg:$0x3] =	wrdreg s6  }
0xab: {  	[dreg:$0x4] =	wrdreg $0xC0  }
0xac: {  	_ =	task [dreg:s8], $0x5FFFF  }
0xad: {  	[dreg:$0x1] =	wrdreg $0xFFFFFFFF  }
0xae: {  	[dreg:$0x0] =	wrdreg $0x60  }
0xaf: {  	[dreg:$0x2] =	wrdreg s24  }
0xb0: {  	[dreg:$0x3] =	wrdreg s2  }
0xb1: {  	[dreg:$0x4] =	wrdreg s18  }
0xb2: {  	[dreg:$0x5] =	wrdreg $0x104000  }
0xb3: {  	[dreg:$0x6] =	wrdreg $0x9  }
0xb4: {  	_ =	task.clear_ibuf [dreg:s8], $0x7FFFF;
	_ =	strace $0x90000046  }
0xb5: {  	s29 =	simm.s32 $0x9;
	_ =	strace $0x80000048  }
0xb6: {  	_ =	swait.ge [sflag:s29], $0x1  }
0xb7: {  	[sflag:s29] =	ssyncadd.s32 $0xFFFFFFFF  }
0xb8: {  	_ =	strace $0x90000048  }
0xb9: {  	_ =	sfence  }
0xba: {  	s30 =	sld [smem:$0x0];
	_ =	sdelay $0x2  }
0xbb: {  	s31 =	sshll.u32 s1, $0xD;
	s1 =	sshrl.u32 s1, $0x2  }
0xbc: {  	s3 =	sand.u32 $0x4000, s31;
	s1 =	sadd.s32 s1, s30  }
0xbd: {  	s0 =	sor.u32 s3, s0;
	s1 =	sshll.u32 s1, $0x11  }
0xbe: {  	s0 =	sor.u32 s1, s0  }
0xbf: {  	s0 =	sadd.s32 $0x8F2B, s0  }
0xc0: {  	[sflag:s0] =	ssyncadd.remote.s32 $0x1  }
0xc1: {  	_ =	sfence.sel $0xFFFF  }
0xc2: {  	[dreg:$0x0] =	wrdreg $0xFFFFFFFF;
	(pc) =	sbr.abs _section_cstart, $3  }
0xc3: {  	[dreg:$0x1] =	wrdreg $0xFFFFFFFF  }
0xc4: {  	_ =	task.clear_ibuf [dreg:s8], $0x2FFFF;
	_ =	strace $0x9FFFFFFF  }
0xc5: {  	(tm) =	ssettm $0x7FFFFFFF  }
tec
execute0_lowered:
.L_overlay_start_1:
0x0: {  	(tag) =	ssettag $0x1  }
0x1: {  	s4 =	rddreg [dreg:$0x0]  }
0x2: {  	s5 =	rddreg [dreg:$0x1]  }
0x3: {  	s6 =	rddreg [dreg:$0x2];
	s1 =	srdreg.scid  }
0x4: {  	s0 =	stileid.u32;
	s2 =	rddreg [dreg:$0x3]  }
0x5: {  	s23 =	simm.s32 $0x80;
	s1 =	sand.u32 $0x1, s1;
	s3 =	sshll.u32 s0, $0x1  }
0x6: {  	s9 =	sshll.u32 s0, $0x6;
	s7 =	sor.u32 s1, s3;
	s3 =	simm.s32 $0x0  }
0x7: {  	s0 =	smin.u32 s9, $0x3A8;
	s11 =	sor.u32 $0x1C0B, s9;
	[smem:$0x7FF] =	sst s3  }
0x8: {  	s10 =	sshll.u32 s0, $0x4;
	_ =	strace $0x80000047;
	[dreg:$0x7] =	wrdreg s11  }
0x9: {  	s8 =	sshll.u32 s7, $0x7;
	s5 =	sadd.s32 s5, s10;
	[dreg:$0x10] =	wrdreg s23  }
0xa: {  	s4 =	sadd.s32 s8, s4;
	[dreg:$0x6] =	wrdreg s5  }
0xb: {  	s4 =	sadd.s32 $0x400, s4;
	s20 =	rddreg [dreg:$0x7]  }
0xc: {  	s10 =	sshll.u32 s7, $0xD;
	[dreg:$0x5] =	wrdreg s4  }
0xd: {  	s4 =	sadd.s32 s6, s10;
	s21 =	rddreg [dreg:$0x6]  }
0xe: {  	s5 =	sadd.s32 $0x400, s4;
	s22 =	rddreg [dreg:$0x5]  }
0xf: {  	s12 =	sadd.s32 $0x800, s4;
	[dreg:$0x8] =	wrdreg s5  }
0x10: {  	s13 =	sadd.s32 $0xC00, s4;
	[dreg:$0x9] =	wrdreg s12  }
0x11: {  	s14 =	sadd.s32 $0x1000, s4;
	[dreg:$0xa] =	wrdreg s13  }
0x12: {  	s15 =	sadd.s32 $0x1400, s4;
	[dreg:$0xb] =	wrdreg s14  }
0x13: {  	s16 =	sshll.u32 s0, $0x7;
	s17 =	sadd.s32 $0x1800, s4;
	[dreg:$0xc] =	wrdreg s15  }
0x14: {  	s6 =	sadd.s32 s16, s2;
	s18 =	sadd.s32 $0x1C00, s4;
	[dreg:$0xd] =	wrdreg s17  }
0x15: {  	s19 =	sshrl.u32 s6, $0x3;
	[dreg:$0xe] =	wrdreg s18  }
0x16: {  	[dreg:$0xf] =	wrdreg s19  }
0x17: {  	[tilespmem:s3], [sflag:$0xA] =	stream.linear.gather [hbm4b:s22+s3], $0x400, $0x38;
	[tilespmem:$0x12340] =	vst v63  }
0x18: {  	s5 =	simm.s32 $0xA;
	s24 =	rddreg [dreg:$0xf]  }
0x19: {  	[spmem:s24], [sflag:s20] =	dma.local [hbm:s21], $0x400  }
0x1a: {  	_ =	swait.ge [sflag:s5], $0x400  }
0x1b: {  	[sflag:s5] =	ssyncset.done $0x0  }
0x1c: {  	s6 =	simm.s32 $0xB;
	[sflag:s5] =	ssyncadd.s32 $0xFFFFFC00  }
0x1d: {  	_ =	swait.ge [sflag:s6], $0x400  }
0x1e: {  	[sflag:s6] =	ssyncset.done $0x0  }
0x1f: {  	[sflag:s6] =	ssyncadd.s32 $0xFFFFFC00  }
0x20: {  	s7 =	simm.s32 $0x40;
	s8 =	simm.s32 $0x400;
	[bflag:$0x0] =	sbarrier.arrive $0xFFFF  }
0x21: {  	[tilespmem:s8], [sflag:$0x1] =	stream.indirect.gather [spmem:s2], $0x80, s3, s7, $0xb8;
	[tilespmem:$0x12340] =	vst v63  }
0x22: {  	s9 =	simm.s32 $0x2400;
	s25 =	rddreg [dreg:$0x10]  }
0x23: {  	[tilespmem:s9], [sflag:$0x2] =	stream.indirect.gather [spmem:s2], $0x80, s25, s7, $0xb8;
	[tilespmem:$0x12340] =	vst v63  }
0x24: {  	s26 =	simm.s32 $0x100;
	s11 =	simm.s32 $0x4400  }
0x25: {  	[tilespmem:s11], [sflag:$0x3] =	stream.indirect.gather [spmem:s2], $0x80, s26, s7, $0xb8;
	[tilespmem:$0x12340] =	vst v63  }
0x26: {  	s10 =	simm.s32 $0x180;
	s13 =	simm.s32 $0x6400  }
0x27: {  	[tilespmem:s13], [sflag:$0x4] =	stream.indirect.gather [spmem:s2], $0x80, s10, s7, $0xb8;
	[tilespmem:$0x12340] =	vst v63  }
0x28: {  	s12 =	simm.s32 $0x200;
	s15 =	simm.s32 $0x8400  }
0x29: {  	[tilespmem:s15], [sflag:$0x5] =	stream.indirect.gather [spmem:s2], $0x80, s12, s7, $0xb8;
	[tilespmem:$0x12340] =	vst v63  }
0x2a: {  	s16 =	simm.s32 $0x280;
	s17 =	simm.s32 $0xA400  }
0x2b: {  	[tilespmem:s17], [sflag:$0x6] =	stream.indirect.gather [spmem:s2], $0x80, s16, s7, $0xb8;
	[tilespmem:$0x12340] =	vst v63  }
0x2c: {  	s18 =	simm.s32 $0x300;
	s19 =	simm.s32 $0xC400  }
0x2d: {  	[tilespmem:s19], [sflag:$0x7] =	stream.indirect.gather [spmem:s2], $0x80, s18, s7, $0xb8;
	[tilespmem:$0x12340] =	vst v63  }
0x2e: {  	s22 =	simm.s32 $0x1;
	s20 =	simm.s32 $0x380;
	s21 =	simm.s32 $0xE400  }
0x2f: {  	[tilespmem:s21], [sflag:$0x8] =	stream.indirect.gather [spmem:s2], $0x80, s20, s7, $0xb8;
	[tilespmem:$0x12340] =	vst v63  }
0x30: {  	_ =	swait.ge [sflag:s22], $0x2000  }
0x31: {  	[sflag:s22] =	ssyncset.done $0x0  }
0x32: {  	s23 =	simm.s32 $0x2;
	[sflag:s22] =	ssyncadd.s32 $0xFFFFE000  }
0x33: {  	[hbm4b:s4+s3] =	stream.linear.scatter [tilespmem:s8], [sflag:$0x9], $0x2000, $0x38;
	[tilespmem:$0x12340] =	vst v63  }
0x34: {  	_ =	swait.ge [sflag:s23], $0x2000  }
0x35: {  	[sflag:s23] =	ssyncset.done $0x0  }
0x36: {  	s24 =	rddreg [dreg:$0x8];
	[sflag:s23] =	ssyncadd.s32 $0xFFFFE000  }
0x37: {  	[hbm4b:s24+s3] =	stream.linear.scatter [tilespmem:s9], [sflag:$0x9], $0x2000, $0x38;
	[tilespmem:$0x12340] =	vst v63  }
0x38: {  	s24 =	simm.s32 $0x3  }
0x39: {  	_ =	swait.ge [sflag:s24], $0x2000  }
0x3a: {  	[sflag:s24] =	ssyncset.done $0x0  }
0x3b: {  	s25 =	rddreg [dreg:$0x9];
	[sflag:s24] =	ssyncadd.s32 $0xFFFFE000  }
0x3c: {  	[hbm4b:s25+s3] =	stream.linear.scatter [tilespmem:s11], [sflag:$0x9], $0x2000, $0x38;
	[tilespmem:$0x12340] =	vst v63  }
0x3d: {  	s25 =	simm.s32 $0x4  }
0x3e: {  	_ =	swait.ge [sflag:s25], $0x2000  }
0x3f: {  	[sflag:s25] =	ssyncset.done $0x0  }
0x40: {  	s26 =	rddreg [dreg:$0xa];
	[sflag:s25] =	ssyncadd.s32 $0xFFFFE000  }
0x41: {  	[hbm4b:s26+s3] =	stream.linear.scatter [tilespmem:s13], [sflag:$0x9], $0x2000, $0x38;
	[tilespmem:$0x12340] =	vst v63  }
0x42: {  	s26 =	simm.s32 $0x5  }
0x43: {  	_ =	swait.ge [sflag:s26], $0x2000  }
0x44: {  	[sflag:s26] =	ssyncset.done $0x0  }
0x45: {  	s28 =	rddreg [dreg:$0xb];
	[sflag:s26] =	ssyncadd.s32 $0xFFFFE000  }
0x46: {  	[hbm4b:s28+s3] =	stream.linear.scatter [tilespmem:s15], [sflag:$0x9], $0x2000, $0x38;
	[tilespmem:$0x12340] =	vst v63  }
0x47: {  	s28 =	simm.s32 $0x6  }
0x48: {  	_ =	swait.ge [sflag:s28], $0x2000  }
0x49: {  	[sflag:s28] =	ssyncset.done $0x0  }
0x4a: {  	s29 =	rddreg [dreg:$0xc];
	[sflag:s28] =	ssyncadd.s32 $0xFFFFE000  }
0x4b: {  	[hbm4b:s29+s3] =	stream.linear.scatter [tilespmem:s17], [sflag:$0x9], $0x2000, $0x38;
	[tilespmem:$0x12340] =	vst v63  }
0x4c: {  	s29 =	simm.s32 $0x7  }
0x4d: {  	_ =	swait.ge [sflag:s29], $0x2000  }
0x4e: {  	[sflag:s29] =	ssyncset.done $0x0  }
0x4f: {  	s30 =	rddreg [dreg:$0xd];
	[sflag:s29] =	ssyncadd.s32 $0xFFFFE000  }
0x50: {  	[hbm4b:s30+s3] =	stream.linear.scatter [tilespmem:s19], [sflag:$0x9], $0x2000, $0x38;
	[tilespmem:$0x12340] =	vst v63  }
0x51: {  	s30 =	simm.s32 $0x8  }
0x52: {  	_ =	swait.ge [sflag:s30], $0x2000  }
0x53: {  	[sflag:s30] =	ssyncset.done $0x0  }
0x54: {  	s31 =	rddreg [dreg:$0xe];
	[sflag:s30] =	ssyncadd.s32 $0xFFFFE000  }
0x55: {  	[hbm4b:s31+s3] =	stream.linear.scatter [tilespmem:s21], [sflag:$0x9], $0x2000, $0x38;
	[tilespmem:$0x12340] =	vst v63  }
0x56: {  	s31 =	simm.s32 $0x9  }
0x57: {  	_ =	swait.ge [sflag:s31], $0x2000  }
0x58: {  	[sflag:s31] =	ssyncset.done $0x0  }
0x59: {  	[sflag:s31] =	ssyncadd.s32 $0xFFFFE000  }
0x5a: {  	_ =	swait.ge [sflag:s31], $0x2000  }
0x5b: {  	[sflag:s31] =	ssyncset.done $0x0  }
0x5c: {  	[sflag:s31] =	ssyncadd.s32 $0xFFFFE000  }
0x5d: {  	_ =	swait.ge [sflag:s31], $0x2000  }
0x5e: {  	[sflag:s31] =	ssyncset.done $0x0  }
0x5f: {  	[sflag:s31] =	ssyncadd.s32 $0xFFFFE000  }
0x60: {  	_ =	swait.ge [sflag:s31], $0x2000  }
0x61: {  	[sflag:s31] =	ssyncset.done $0x0  }
0x62: {  	[sflag:s31] =	ssyncadd.s32 $0xFFFFE000  }
0x63: {  	s1 =	ssub.s32 $0x2, s1;
	_ =	swait.ge [sflag:s31], $0x2000  }
0x64: {  	s14 =	sshrl.u32 s1, $0x1;
	[sflag:s31] =	ssyncset.done $0x0  }
0x65: {  	s0 =	ssub.s32 s1, s14;
	[sflag:s31] =	ssyncadd.s32 $0xFFFFE000  }
0x66: {  	s0 =	smax.u32 s0, $0x1;
	_ =	swait.ge [sflag:s31], $0x2000  }
0x67: {  	p0 =	sne.s32 s0, $0x1;
	[sflag:s31] =	ssyncset.done $0x0  }
.Ltmp0:
0x68: {  	[sflag:s31] =	ssyncadd.s32 $0xFFFFE000;
	(pc) =	sbr.rel @!p0 .LBB2_2-.Ltmp0, $4  }
0x69: {  	_ =	swait.ge [sflag:s31], $0x2000  }
0x6a: {  	[sflag:s31] =	ssyncset.done $0x0  }
0x6b: {  	[sflag:s31] =	ssyncadd.s32 $0xFFFFE000  }
0x6c: {  	s1 =	sadd.s32 $0xFFFFFFFF, s0;
	_ =	swait.ge [sflag:s31], $0x2000  }
.LBB2_1:
0x6d: {  	s0 =	rddreg [dreg:$0x7]  }
0x6e: {  	s10 =	rddreg [dreg:$0x6]  }
0x6f: {  	[sflag:s31] =	ssyncset.done $0x0;
	s12 =	rddreg [dreg:$0x5]  }
0x70: {  	s14 =	rddreg [dreg:$0xf];
	[sflag:s31] =	ssyncadd.s32 $0xFFFFE000  }
0x71: {  	[tilespmem:s3], [sflag:$0xA] =	stream.linear.gather [hbm4b:s12+s3], $0x400, $0x38;
	[tilespmem:$0x12340] =	vst v63  }
0x72: {  	[spmem:s14], [sflag:s0] =	dma.local [hbm:s10], $0x400  }
0x73: {  	_ =	swait.ge [sflag:s5], $0x400  }
0x74: {  	[sflag:s5] =	ssyncset.done $0x0  }
0x75: {  	[sflag:s5] =	ssyncadd.s32 $0xFFFFFC00  }
0x76: {  	_ =	swait.ge [sflag:s6], $0x400  }
0x77: {  	[sflag:s6] =	ssyncset.done $0x0  }
0x78: {  	[sflag:s6] =	ssyncadd.s32 $0xFFFFFC00  }
0x79: {  	[bflag:$0x0] =	sbarrier.arrive $0xFFFF  }
0x7a: {  	[tilespmem:s8], [sflag:$0x1] =	stream.indirect.gather [spmem:s2], $0x80, s3, s7, $0xb8;
	[tilespmem:$0x12340] =	vst v63  }
0x7b: {  	s12 =	rddreg [dreg:$0x10]  }
0x7c: {  	[tilespmem:s9], [sflag:$0x2] =	stream.indirect.gather [spmem:s2], $0x80, s12, s7, $0xb8;
	[tilespmem:$0x12340] =	vst v63  }
0x7d: {  	s14 =	simm.s32 $0x100  }
0x7e: {  	[tilespmem:s11], [sflag:$0x3] =	stream.indirect.gather [spmem:s2], $0x80, s14, s7, $0xb8;
	[tilespmem:$0x12340] =	vst v63  }
0x7f: {  	s10 =	simm.s32 $0x180  }
0x80: {  	[tilespmem:s13], [sflag:$0x4] =	stream.indirect.gather [spmem:s2], $0x80, s10, s7, $0xb8;
	[tilespmem:$0x12340] =	vst v63  }
0x81: {  	s12 =	simm.s32 $0x200  }
0x82: {  	[tilespmem:s15], [sflag:$0x5] =	stream.indirect.gather [spmem:s2], $0x80, s12, s7, $0xb8;
	[tilespmem:$0x12340] =	vst v63  }
0x83: {  	_ = 	snop  }
0x84: {  	[tilespmem:s17], [sflag:$0x6] =	stream.indirect.gather [spmem:s2], $0x80, s16, s7, $0xb8;
	[tilespmem:$0x12340] =	vst v63  }
0x85: {  	_ = 	snop  }
0x86: {  	[tilespmem:s19], [sflag:$0x7] =	stream.indirect.gather [spmem:s2], $0x80, s18, s7, $0xb8;
	[tilespmem:$0x12340] =	vst v63  }
0x87: {  	_ = 	snop  }
0x88: {  	[tilespmem:s21], [sflag:$0x8] =	stream.indirect.gather [spmem:s2], $0x80, s20, s7, $0xb8;
	[tilespmem:$0x12340] =	vst v63  }
0x89: {  	_ =	swait.ge [sflag:s22], $0x2000  }
0x8a: {  	[sflag:s22] =	ssyncset.done $0x0  }
0x8b: {  	[sflag:s22] =	ssyncadd.s32 $0xFFFFE000  }
0x8c: {  	[hbm4b:s4+s3] =	stream.linear.scatter [tilespmem:s8], [sflag:$0x9], $0x2000, $0x38;
	[tilespmem:$0x12340] =	vst v63  }
0x8d: {  	_ =	swait.ge [sflag:s23], $0x2000  }
0x8e: {  	[sflag:s23] =	ssyncset.done $0x0  }
0x8f: {  	s14 =	rddreg [dreg:$0x8];
	[sflag:s23] =	ssyncadd.s32 $0xFFFFE000  }
0x90: {  	[hbm4b:s14+s3] =	stream.linear.scatter [tilespmem:s9], [sflag:$0x9], $0x2000, $0x38;
	[tilespmem:$0x12340] =	vst v63  }
0x91: {  	_ =	swait.ge [sflag:s24], $0x2000  }
0x92: {  	[sflag:s24] =	ssyncset.done $0x0  }
0x93: {  	s10 =	rddreg [dreg:$0x9];
	[sflag:s24] =	ssyncadd.s32 $0xFFFFE000  }
0x94: {  	[hbm4b:s10+s3] =	stream.linear.scatter [tilespmem:s11], [sflag:$0x9], $0x2000, $0x38;
	[tilespmem:$0x12340] =	vst v63  }
0x95: {  	_ =	swait.ge [sflag:s25], $0x2000  }
0x96: {  	[sflag:s25] =	ssyncset.done $0x0  }
0x97: {  	s12 =	rddreg [dreg:$0xa];
	[sflag:s25] =	ssyncadd.s32 $0xFFFFE000  }
0x98: {  	[hbm4b:s12+s3] =	stream.linear.scatter [tilespmem:s13], [sflag:$0x9], $0x2000, $0x38;
	[tilespmem:$0x12340] =	vst v63  }
0x99: {  	_ =	swait.ge [sflag:s26], $0x2000  }
0x9a: {  	[sflag:s26] =	ssyncset.done $0x0  }
0x9b: {  	s14 =	rddreg [dreg:$0xb];
	[sflag:s26] =	ssyncadd.s32 $0xFFFFE000  }
0x9c: {  	[hbm4b:s14+s3] =	stream.linear.scatter [tilespmem:s15], [sflag:$0x9], $0x2000, $0x38;
	[tilespmem:$0x12340] =	vst v63  }
0x9d: {  	_ =	swait.ge [sflag:s28], $0x2000  }
0x9e: {  	[sflag:s28] =	ssyncset.done $0x0  }
0x9f: {  	s10 =	rddreg [dreg:$0xc];
	[sflag:s28] =	ssyncadd.s32 $0xFFFFE000  }
0xa0: {  	[hbm4b:s10+s3] =	stream.linear.scatter [tilespmem:s17], [sflag:$0x9], $0x2000, $0x38;
	[tilespmem:$0x12340] =	vst v63  }
0xa1: {  	_ =	swait.ge [sflag:s29], $0x2000  }
0xa2: {  	[sflag:s29] =	ssyncset.done $0x0  }
0xa3: {  	s12 =	rddreg [dreg:$0xd];
	[sflag:s29] =	ssyncadd.s32 $0xFFFFE000  }
0xa4: {  	[hbm4b:s12+s3] =	stream.linear.scatter [tilespmem:s19], [sflag:$0x9], $0x2000, $0x38;
	[tilespmem:$0x12340] =	vst v63  }
0xa5: {  	_ =	swait.ge [sflag:s30], $0x2000  }
0xa6: {  	[sflag:s30] =	ssyncset.done $0x0  }
0xa7: {  	s14 =	rddreg [dreg:$0xe];
	[sflag:s30] =	ssyncadd.s32 $0xFFFFE000  }
0xa8: {  	[hbm4b:s14+s3] =	stream.linear.scatter [tilespmem:s21], [sflag:$0x9], $0x2000, $0x38;
	[tilespmem:$0x12340] =	vst v63  }
0xa9: {  	_ =	swait.ge [sflag:s31], $0x2000  }
0xaa: {  	[sflag:s31] =	ssyncset.done $0x0  }
0xab: {  	[sflag:s31] =	ssyncadd.s32 $0xFFFFE000  }
0xac: {  	_ =	swait.ge [sflag:s31], $0x2000  }
0xad: {  	[sflag:s31] =	ssyncset.done $0x0  }
0xae: {  	[sflag:s31] =	ssyncadd.s32 $0xFFFFE000  }
0xaf: {  	_ =	swait.ge [sflag:s31], $0x2000  }
0xb0: {  	[sflag:s31] =	ssyncset.done $0x0  }
0xb1: {  	[sflag:s31] =	ssyncadd.s32 $0xFFFFE000  }
0xb2: {  	_ =	swait.ge [sflag:s31], $0x2000  }
0xb3: {  	[sflag:s31] =	ssyncset.done $0x0  }
0xb4: {  	[sflag:s31] =	ssyncadd.s32 $0xFFFFE000  }
0xb5: {  	_ =	swait.ge [sflag:s31], $0x2000  }
0xb6: {  	[sflag:s31] =	ssyncset.done $0x0  }
0xb7: {  	[sflag:s31] =	ssyncadd.s32 $0xFFFFE000  }
0xb8: {  	_ =	swait.ge [sflag:s31], $0x2000  }
0xb9: {  	p0 =	sne.s32 s1, $0x1;
	[sflag:s31] =	ssyncset.done $0x0  }
.Ltmp1:
0xba: {  	[sflag:s31] =	ssyncadd.s32 $0xFFFFE000;
	(pc) =	sbr.rel @p0 .LBB2_1-.Ltmp1, $4  }
0xbb: {  	_ =	swait.ge [sflag:s31], $0x2000  }
0xbc: {  	[sflag:s31] =	ssyncset.done $0x0  }
0xbd: {  	[sflag:s31] =	ssyncadd.s32 $0xFFFFE000  }
0xbe: {  	s1 =	sadd.s32 $0xFFFFFFFF, s1;
	_ =	swait.ge [sflag:s31], $0x2000  }
.LBB2_2:
0xbf: {  	[sflag:s31] =	ssyncset.done $0x0  }
0xc0: {  	[sflag:s31] =	ssyncadd.s32 $0xFFFFE000  }
0xc1: {  	_ =	sfence.sel $0x180000  }
0xc2: {  	[bflag:$0x0] =	sbarrier.arrive $0xFFFF  }
0xc3: {  	_ =	strace $0x90000047  }
0xc4: {  	s0 =	stileid.u32;
	[bflag:$0x2] =	sbarrier.arrive $0xFFFF  }
0xc5: {  	p0 =	sne.s32 s0, $0x0;
	s0 =	rddreg [dreg:$0x4]  }
0xc6: {  	s0 =	sadd.s32 @!p0 $0x100000, s0  }
0xc7: {  	[sflag:s0] =	ssyncadd.tile.s32 @!p0 $0x1;
	_ =	shalt  }
.Lfunc_end2:
_tile_overlayer_lowered:
.L_overlay_start_2:
0xc8: {  	(tag) =	ssettag $0x2  }
0xc9: {  	s0 =	rddreg [dreg:$0x0];
	s2 =	stileid.u32  }
0xca: {  	s1 =	rddreg [dreg:$0x1];
	p0 =	sne.s32 s2, $0x0  }
0xcb: {  	s3 =	rddreg [dreg:$0x2];
	[bflag:$0x3] =	sbarrier.arrive $0xFFFF;
	s2 =	simm.s32 @!p0 $0x1C0C  }
0xcc: {  	[timem:s3], [sflag:s2] =	dma.local @!p0 [hbm:s0], s1  }
0xcd: {  	s0 =	simm.s32 @!p0 $0xC  }
0xce: {  	_ =	swait.ge @!p0 [sflag:s0], s1  }
0xcf: {  	s1 =	ssub.s32 @!p0 $0x0, s1;
	[sflag:s0] =	ssyncset.done @!p0 $0x0  }
0xd0: {  	[sflag:s0] =	ssyncadd.s32 @!p0 s1  }
0xd1: {  	[bflag:$0x3] =	sbarrier.arrive $0xFFFF  }
0xd2: {  	_ =	shalt  }

</sc_bundles>
